<compile_context>
chip_gen: v7x
topology: tpu7x:2x2x1
jax: 0.10.2.dev20260603
libtpu: 0.0.44.dev20260713+nightly
codegen_flags: <defaults>
</compile_context>

<pallas_src>
import jax
import jax.numpy as jnp
from jax import lax
from jax.experimental import pallas as pl
from jax.experimental.pallas import tpu as pltpu
from jax.experimental.pallas import tpu_sc as plsc

B, N, M = 8, 4096, 1024
C1, C2 = 128, 256
CO = 128
BLK = 1024
NB = N // BLK
ABLK = 1024
ANB = N // ABLK


def _three_nn_body(u_ref, kn_ref, kf_ref, w_ref, fi_ref, wt_ref, pt_ref):
    b = pl.program_id(0)
    nb = pl.program_id(1)

    @pl.when(nb == 0)
    def _():
        pt_ref[0] = lax.dot_general(
            kf_ref[0], w_ref[:, :C2], (((0,), (1,)), ((), ())),
            preferred_element_type=jnp.float32,
        )

    U = u_ref[0]
    K = kn_ref[0]
    i3r = lax.broadcasted_iota(jnp.int32, (3, 3), 0)
    i3c = lax.broadcasted_iota(jnp.int32, (3, 3), 1)
    ident3 = jnp.where(i3r == i3c, 1.0, 0.0).astype(jnp.float32)
    Ut = lax.dot_general(
        ident3, U, (((1,), (1,)), ((), ())),
        preferred_element_type=jnp.float32,
        precision=lax.Precision.HIGHEST,
    )
    d2 = None
    for c in range(3):
        diff = K[:, c : c + 1] - Ut[c : c + 1, :]
        sq = diff * diff
        d2 = sq if d2 is None else d2 + sq
    iota = lax.broadcasted_iota(jnp.int32, (M, ABLK), 0)
    masks, recips = [], []
    for _ in range(3):
        dmin = jnp.min(d2, axis=0, keepdims=True)
        eq = d2 == dmin
        d2 = jnp.where(eq, 1e30, d2)
        dist = jnp.sqrt(jnp.maximum(dmin, 1e-12))
        masks.append(eq)
        recips.append(1.0 / (dist + 1e-8))
    packed = (
        jnp.where(masks[0], iota, 0)
        + jnp.where(masks[1], iota * 1024, 0)
        + jnp.where(masks[2], iota * (1024 * 1024), 0)
    )
    psum = jnp.sum(packed, axis=0, keepdims=True)
    idxs = [psum & 1023, (psum >> 10) & 1023, (psum >> 20) & 1023]
    norm = recips[0] + recips[1] + recips[2]
    flat = jnp.clip(jnp.concatenate(idxs, axis=0), 0, M - 1) + b * M
    wts = jnp.concatenate(recips, axis=0) / norm
    fi_ref[0] = flat
    wt_ref[0] = wts


def _three_nn(unknown, known, known_feats, W):
    return pl.pallas_call(
        _three_nn_body,
        grid=(B, ANB),
        in_specs=[
            pl.BlockSpec((1, ABLK, 3), lambda b, n: (b, n, 0)),
            pl.BlockSpec((1, M, 3), lambda b, n: (b, 0, 0)),
            pl.BlockSpec((1, C2, M), lambda b, n: (b, 0, 0)),
            pl.BlockSpec((CO, C1 + C2), lambda b, n: (0, 0)),
        ],
        out_specs=[
            pl.BlockSpec((1, 3, ABLK), lambda b, n: (b, 0, n)),
            pl.BlockSpec((1, 3, ABLK), lambda b, n: (b, 0, n)),
            pl.BlockSpec((1, M, CO), lambda b, n: (b, 0, 0)),
        ],
        out_shape=[
            jax.ShapeDtypeStruct((B, 3, N), jnp.int32),
            jax.ShapeDtypeStruct((B, 3, N), jnp.float32),
            jax.ShapeDtypeStruct((B, M, CO), jnp.float32),
        ],
    )(unknown, known, known_feats, W)


_TOTAL_ROWS = B * 3 * N
_NW = 32
_PER_W = _TOTAL_ROWS // _NW
_CHUNK = 384
_NCH = _PER_W // _CHUNK


def _sc_gather_body(pt_hbm, fi_hbm, out_hbm, idx0_v, idx1_v, rows0_v,
                    rows1_v, sem0, sem1):
    wid = lax.axis_index("s") * 2 + lax.axis_index("c")
    base = wid * _PER_W
    idxs = [idx0_v, idx1_v]
    rows = [rows0_v, rows1_v]
    sems = [sem0, sem1]

    def start_gather(c):
        k = c % 2
        pltpu.sync_copy(fi_hbm.at[pl.ds(base + c * _CHUNK, _CHUNK)],
                        idxs[k])
        return pltpu.async_copy(pt_hbm.at[idxs[k]], rows[k], sems[k])

    def drain(c, cp):
        cp.wait()
        pltpu.sync_copy(rows[c % 2],
                        out_hbm.at[pl.ds(base + c * _CHUNK, _CHUNK)])

    cps = [start_gather(0)]
    for c in range(1, _NCH):
        cps.append(start_gather(c))
        drain(c - 1, cps[c - 1])
    drain(_NCH - 1, cps[_NCH - 1])


def _sc_gather(pt_flat, fi_flat):
    mesh = plsc.VectorSubcoreMesh(core_axis_name="c", subcore_axis_name="s")
    f = pl.kernel(
        _sc_gather_body,
        out_type=jax.ShapeDtypeStruct((_TOTAL_ROWS, CO), jnp.float32),
        mesh=mesh,
        scratch_types=[
            pltpu.VMEM((_CHUNK,), jnp.int32),
            pltpu.VMEM((_CHUNK,), jnp.int32),
            pltpu.VMEM((_CHUNK, CO), jnp.float32),
            pltpu.VMEM((_CHUNK, CO), jnp.float32),
            pltpu.SemaphoreType.DMA,
            pltpu.SemaphoreType.DMA,
        ],
    )
    return f(pt_flat, fi_flat)


def _mix_bn_body(g_ref, wt_ref, uf_ref, w_ref, gm_ref, bt_ref, out_ref,
                 h_scr, acc_scr):
    p = pl.program_id(0)
    b = pl.program_id(1)
    nb = pl.program_id(2)

    @pl.when(p == 0)
    def _():
        first = jnp.logical_and(b == 0, nb == 0)
        uf = uf_ref[0]
        w1 = w_ref[:, C2:]
        wts = wt_ref[0]
        ht = lax.dot_general(
            w1, uf, (((1,), (0,)), ((), ())),
            preferred_element_type=jnp.float32,
        )
        ri = lax.broadcasted_iota(jnp.int32, (CO, CO), 0)
        ci = lax.broadcasted_iota(jnp.int32, (CO, CO), 1)
        ident = jnp.where(ri == ci, 1.0, 0.0).astype(jnp.float32)
        for j in range(3):
            gj = g_ref[0, j]
            gjt = lax.dot_general(
                ident, gj, (((1,), (1,)), ((), ())),
                preferred_element_type=jnp.float32,
            )
            ht = ht + gjt * wts[j : j + 1, :]
        h_scr[pl.ds(b * CO, CO), pl.ds(nb * BLK, BLK)] = ht
        s = jnp.sum(ht, axis=1, keepdims=True)
        sq = jnp.sum(ht * ht, axis=1, keepdims=True)
        part = jnp.concatenate(
            [s, sq, jnp.zeros((CO, 6), jnp.float32)], axis=1)

        @pl.when(first)
        def _():
            acc_scr[...] = jnp.zeros_like(acc_scr)

        acc_scr[...] += part

    @pl.when(p == 1)
    def _():
        cnt = float(B * N)
        mean = acc_scr[:, 0:1] / cnt
        ex2 = acc_scr[:, 1:2] / cnt
        var = ex2 - mean * mean
        scale = gm_ref[...] * lax.rsqrt(var + 1e-5)
        shift = bt_ref[...] - mean * scale
        ht = h_scr[pl.ds(b * CO, CO), pl.ds(nb * BLK, BLK)]
        out_ref[0] = jnp.maximum(ht * scale + shift, 0.0)


def _mix_bn(g4, wts, unknow_feats, W, gamma_c, beta_c):
    return pl.pallas_call(
        _mix_bn_body,
        grid=(2, B, NB),
        in_specs=[
            pl.BlockSpec((1, 3, BLK, CO), lambda p, b, n: (b * (1 - p), 0, n * (1 - p), 0)),
            pl.BlockSpec((1, 3, BLK), lambda p, b, n: (b * (1 - p), 0, n * (1 - p))),
            pl.BlockSpec((1, C1, BLK), lambda p, b, n: (b * (1 - p), 0, n * (1 - p))),
            pl.BlockSpec((CO, C1 + C2), lambda p, b, n: (0, 0)),
            pl.BlockSpec((CO, 1), lambda p, b, n: (0, 0)),
            pl.BlockSpec((CO, 1), lambda p, b, n: (0, 0)),
        ],
        out_specs=pl.BlockSpec((1, CO, BLK), lambda p, b, n: (b * p, 0, n * p)),
        out_shape=jax.ShapeDtypeStruct((B, CO, N), jnp.float32),
        scratch_shapes=[
            pltpu.VMEM((B * CO, N), jnp.float32),
            pltpu.VMEM((CO, 8), jnp.float32),
        ],
    )(g4, wts, unknow_feats, W, gamma_c, beta_c)


@jax.jit
def kernel(unknown, known, unknow_feats, known_feats, W, gamma, beta):
    fi, wts, pt = _three_nn(unknown, known, known_feats, W)
    g = _sc_gather(pt.reshape(B * M, CO), fi.reshape(_TOTAL_ROWS))
    g4 = g.reshape(B, 3, N, CO)
    return _mix_bn(g4, wts, unknow_feats, W,
                   gamma.reshape(CO, 1), beta.reshape(CO, 1))

# --- scband reference (transcript-rebuilt; emitter-appended) ---
"""Pipeline reference for scband-pointnet-fpmodule-24455543783472 (READ-ONLY COPY).

The authoritative reference and input builder live on the scoring server;
editing this copy changes nothing except your own understanding.
"""

import jax, jax.numpy as jnp
import numpy as np

B, N, M = 8, 4096, 1024
C1, C2 = 128, 256
C_OUT = 128


def setup_inputs(seed: int = 0) -> dict:
    key = jax.random.key(seed)
    k1, k2, k3, k4, k5, k6, k7 = jax.random.split(key, 7)
    unknown = jax.random.uniform(k1, (B, N, 3), dtype=jnp.float32)
    known = jax.random.uniform(k2, (B, M, 3), dtype=jnp.float32)
    unknow_feats = jax.random.normal(k3, (B, C1, N), dtype=jnp.float32)
    known_feats = jax.random.normal(k4, (B, C2, M), dtype=jnp.float32)
    # SharedMLP params: 1x1 conv (bias=False since bn=True) + BN affine
    W = jax.random.normal(k5, (C_OUT, C1 + C2), dtype=jnp.float32) * (1.0 / np.sqrt(C1 + C2))
    gamma = jnp.ones((C_OUT,), dtype=jnp.float32)
    beta = jnp.zeros((C_OUT,), dtype=jnp.float32)
    return {"unknown": unknown, "known": known, "unknow_feats": unknow_feats,
            "known_feats": known_feats, "W": W, "gamma": gamma, "beta": beta}


def reference(unknown, known, unknow_feats, known_feats, W, gamma, beta):
    # three_nn: 3 nearest known points for each unknown point
    d2 = jnp.sum((unknown[:, :, None, :] - known[:, None, :, :]) ** 2, axis=-1)  # (B, n, m)
    neg_d2, idx = jax.lax.top_k(-d2, 3)  # (B, n, 3)
    dist = jnp.sqrt(jnp.maximum(-neg_d2, 1e-12))
    dist_recip = 1.0 / (dist + 1e-8)
    norm = jnp.sum(dist_recip, axis=2, keepdims=True)
    weight = dist_recip / norm  # (B, n, 3)
    # three_interpolate: weighted gather of known_feats
    kf_t = jnp.transpose(known_feats, (0, 2, 1))  # (B, m, C2)
    b_idx = jnp.arange(kf_t.shape[0])[:, None, None]
    gathered = kf_t[b_idx, idx]  # (B, n, 3, C2)
    interp = jnp.sum(gathered * weight[..., None], axis=2)  # (B, n, C2)
    interp_feats = jnp.transpose(interp, (0, 2, 1))  # (B, C2, n)
    new_features = jnp.concatenate([interp_feats, unknow_feats], axis=1)  # (B, C1+C2, n)
    # SharedMLP: 1x1 conv -> BN (training-mode stats) -> ReLU
    h = jnp.einsum('oc,bcn->bon', W, new_features)
    mean = jnp.mean(h, axis=(0, 2), keepdims=True)
    var = jnp.var(h, axis=(0, 2), keepdims=True)
    h = (h - mean) / jnp.sqrt(var + 1e-5)
    h = h * gamma[None, :, None] + beta[None, :, None]
    out = jax.nn.relu(h)
    return out

if __name__ == "__main__":
    import jax
    _d = setup_inputs()
    print(jax.jit(kernel)(*tuple(_d.values())))

</pallas_src>

<mosaic_0001>
#map = affine_map<(d0, d1) -> (0, 0)>
#map1 = affine_map<(d0, d1) -> (0)>
module attributes {stable_mosaic.version = 14 : i64} {
  func.func @_sc_gather_body(%arg0: i32, %arg1: i32, %arg2: memref<8192x128xf32, #tpu.memory_space<hbm>>, %arg3: memref<98304xi32, #tpu.memory_space<hbm>>, %arg4: memref<98304x128xf32, #tpu.memory_space<hbm>>, %arg5: memref<384xi32, #tpu.memory_space<vmem>>, %arg6: memref<384xi32, #tpu.memory_space<vmem>>, %arg7: memref<384x128xf32, #tpu.memory_space<vmem>>, %arg8: memref<384x128xf32, #tpu.memory_space<vmem>>, %arg9: memref<!tpu.dma_semaphore, #tpu.memory_space<semaphore_mem>>, %arg10: memref<!tpu.dma_semaphore, #tpu.memory_space<semaphore_mem>>) attributes {dimension_semantics = [#tpu.dimension_semantics<core_parallel>, #tpu.dimension_semantics<subcore_parallel>], iteration_bounds = array<i64: 2, 16>, scalar_prefetch = 0 : i64, scratch_operands = 6 : i64, tpu.core_type = #tpu.core_type<sc_vector_subcore>, window_params = [{transform_indices = #map}, {transform_indices = #map1}, {transform_indices = #map}]} {
    %mul3A = arith.constant 2 : i32
    %mul3A_0 = arith.muli %arg1, %mul3A : i32
    %add3A = arith.addi %mul3A_0, %arg0 : i32
    %mul3A_1 = arith.constant 3072 : i32
    %mul3A_2 = arith.muli %add3A, %mul3A_1 : i32
    %add3A_3 = arith.constant 0 : i32
    %add3A_4 = arith.addi %mul3A_2, %add3A_3 : i32
    "tpu.region"() ({
      %run_scoped3A = tpu.sem_alloc : memref<!tpu.dma_semaphore, #tpu.memory_space<semaphore_mem>>
      %dma_start3A_81 = tpu.memref_slice %arg3[%add3A_4] : memref<98304xi32, #tpu.memory_space<hbm>> -> memref<384xi32, #tpu.memory_space<hbm>>
      %dma_start3A_82 = tpu.memref_slice %arg3[%add3A_4] : memref<98304xi32, #tpu.memory_space<hbm>> -> memref<384xi32, #tpu.memory_space<hbm>>
      tpu.enqueue_dma source(%dma_start3A_82 : memref<384xi32, #tpu.memory_space<hbm>>) target(%arg5 : memref<384xi32, #tpu.memory_space<vmem>>) target_semaphore(%run_scoped3A : memref<!tpu.dma_semaphore, #tpu.memory_space<semaphore_mem>>)
      %dma_wait3A_83 = tpu.memref_slice %arg3[%add3A_4] : memref<98304xi32, #tpu.memory_space<hbm>> -> memref<384xi32, #tpu.memory_space<hbm>>
      %dma_wait3A_84 = tpu.memref_slice %arg3[%add3A_4] : memref<98304xi32, #tpu.memory_space<hbm>> -> memref<384xi32, #tpu.memory_space<hbm>>
      tpu.wait_dma2 semaphore(%run_scoped3A : memref<!tpu.dma_semaphore, #tpu.memory_space<semaphore_mem>>) src(%dma_wait3A_84 : memref<384xi32, #tpu.memory_space<hbm>>) dst(%arg5 : memref<384xi32, #tpu.memory_space<vmem>>)
      tpu.yield
    }) : () -> ()
    %dma_start3A = arith.constant 0 : i32
    %dma_start3A_5 = arith.constant 0 : i32
    %dma_start3A_6 = tpu.memref_slice %arg2[%dma_start3A, %dma_start3A_5] : memref<8192x128xf32, #tpu.memory_space<hbm>> -> memref<8192x128xf32, #tpu.memory_space<hbm>>
    tpu.enqueue_indirect_dma source(%dma_start3A_6 : memref<8192x128xf32, #tpu.memory_space<hbm>>) target(%arg7 : memref<384x128xf32, #tpu.memory_space<vmem>>) offsets(%arg5 : memref<384xi32, #tpu.memory_space<vmem>>) semaphore(%arg9 : memref<!tpu.dma_semaphore, #tpu.memory_space<semaphore_mem>>)
    %add3A_7 = arith.constant 384 : i32
    %add3A_8 = arith.addi %mul3A_2, %add3A_7 : i32
    "tpu.region"() ({
      %run_scoped3A = tpu.sem_alloc : memref<!tpu.dma_semaphore, #tpu.memory_space<semaphore_mem>>
      %dma_start3A_81 = tpu.memref_slice %arg3[%add3A_8] : memref<98304xi32, #tpu.memory_space<hbm>> -> memref<384xi32, #tpu.memory_space<hbm>>
      %dma_start3A_82 = tpu.memref_slice %arg3[%add3A_8] : memref<98304xi32, #tpu.memory_space<hbm>> -> memref<384xi32, #tpu.memory_space<hbm>>
      tpu.enqueue_dma source(%dma_start3A_82 : memref<384xi32, #tpu.memory_space<hbm>>) target(%arg6 : memref<384xi32, #tpu.memory_space<vmem>>) target_semaphore(%run_scoped3A : memref<!tpu.dma_semaphore, #tpu.memory_space<semaphore_mem>>)
      %dma_wait3A_83 = tpu.memref_slice %arg3[%add3A_8] : memref<98304xi32, #tpu.memory_space<hbm>> -> memref<384xi32, #tpu.memory_space<hbm>>
      %dma_wait3A_84 = tpu.memref_slice %arg3[%add3A_8] : memref<98304xi32, #tpu.memory_space<hbm>> -> memref<384xi32, #tpu.memory_space<hbm>>
      tpu.wait_dma2 semaphore(%run_scoped3A : memref<!tpu.dma_semaphore, #tpu.memory_space<semaphore_mem>>) src(%dma_wait3A_84 : memref<384xi32, #tpu.memory_space<hbm>>) dst(%arg6 : memref<384xi32, #tpu.memory_space<vmem>>)
      tpu.yield
    }) : () -> ()
    %dma_start3A_9 = arith.constant 0 : i32
    %dma_start3A_10 = arith.constant 0 : i32
    %dma_start3A_11 = tpu.memref_slice %arg2[%dma_start3A_9, %dma_start3A_10] : memref<8192x128xf32, #tpu.memory_space<hbm>> -> memref<8192x128xf32, #tpu.memory_space<hbm>>
    tpu.enqueue_indirect_dma source(%dma_start3A_11 : memref<8192x128xf32, #tpu.memory_space<hbm>>) target(%arg8 : memref<384x128xf32, #tpu.memory_space<vmem>>) offsets(%arg6 : memref<384xi32, #tpu.memory_space<vmem>>) semaphore(%arg10 : memref<!tpu.dma_semaphore, #tpu.memory_space<semaphore_mem>>)
    %dma_wait3A = arith.constant 0 : i32
    %dma_wait3A_12 = arith.constant 0 : i32
    %dma_wait3A_13 = tpu.memref_slice %arg2[%dma_wait3A, %dma_wait3A_12] : memref<8192x128xf32, #tpu.memory_space<hbm>> -> memref<8192x128xf32, #tpu.memory_space<hbm>>
    tpu.wait_indirect_dma semaphore(%arg9 : memref<!tpu.dma_semaphore, #tpu.memory_space<semaphore_mem>>) src(%dma_wait3A_13 : memref<8192x128xf32, #tpu.memory_space<hbm>>) dst(%arg7 : memref<384x128xf32, #tpu.memory_space<vmem>>)
    %add3A_14 = arith.constant 0 : i32
    %add3A_15 = arith.addi %mul3A_2, %add3A_14 : i32
    "tpu.region"() ({
      %run_scoped3A = tpu.sem_alloc : memref<!tpu.dma_semaphore, #tpu.memory_space<semaphore_mem>>
      %dma_start3A_81 = arith.constant 0 : i32
      %dma_start3A_82 = tpu.memref_slice %arg4[%add3A_15, %dma_start3A_81] : memref<98304x128xf32, #tpu.memory_space<hbm>> -> memref<384x128xf32, #tpu.memory_space<hbm>>
      %dma_start3A_83 = arith.constant 0 : i32
      %dma_start3A_84 = tpu.memref_slice %arg4[%add3A_15, %dma_start3A_83] : memref<98304x128xf32, #tpu.memory_space<hbm>> -> memref<384x128xf32, #tpu.memory_space<hbm>>
      tpu.enqueue_dma source(%arg7 : memref<384x128xf32, #tpu.memory_space<vmem>>) target(%dma_start3A_84 : memref<384x128xf32, #tpu.memory_space<hbm>>) target_semaphore(%run_scoped3A : memref<!tpu.dma_semaphore, #tpu.memory_space<semaphore_mem>>)
      %dma_wait3A_85 = arith.constant 0 : i32
      %dma_wait3A_86 = tpu.memref_slice %arg4[%add3A_15, %dma_wait3A_85] : memref<98304x128xf32, #tpu.memory_space<hbm>> -> memref<384x128xf32, #tpu.memory_space<hbm>>
      %dma_wait3A_87 = arith.constant 0 : i32
      %dma_wait3A_88 = tpu.memref_slice %arg4[%add3A_15, %dma_wait3A_87] : memref<98304x128xf32, #tpu.memory_space<hbm>> -> memref<384x128xf32, #tpu.memory_space<hbm>>
      tpu.wait_dma2 semaphore(%run_scoped3A : memref<!tpu.dma_semaphore, #tpu.memory_space<semaphore_mem>>) src(%arg7 : memref<384x128xf32, #tpu.memory_space<vmem>>) dst(%dma_wait3A_88 : memref<384x128xf32, #tpu.memory_space<hbm>>)
      tpu.yield
    }) : () -> ()
    %add3A_16 = arith.constant 768 : i32
    %add3A_17 = arith.addi %mul3A_2, %add3A_16 : i32
    "tpu.region"() ({
      %run_scoped3A = tpu.sem_alloc : memref<!tpu.dma_semaphore, #tpu.memory_space<semaphore_mem>>
      %dma_start3A_81 = tpu.memref_slice %arg3[%add3A_17] : memref<98304xi32, #tpu.memory_space<hbm>> -> memref<384xi32, #tpu.memory_space<hbm>>
      %dma_start3A_82 = tpu.memref_slice %arg3[%add3A_17] : memref<98304xi32, #tpu.memory_space<hbm>> -> memref<384xi32, #tpu.memory_space<hbm>>
      tpu.enqueue_dma source(%dma_start3A_82 : memref<384xi32, #tpu.memory_space<hbm>>) target(%arg5 : memref<384xi32, #tpu.memory_space<vmem>>) target_semaphore(%run_scoped3A : memref<!tpu.dma_semaphore, #tpu.memory_space<semaphore_mem>>)
      %dma_wait3A_83 = tpu.memref_slice %arg3[%add3A_17] : memref<98304xi32, #tpu.memory_space<hbm>> -> memref<384xi32, #tpu.memory_space<hbm>>
      %dma_wait3A_84 = tpu.memref_slice %arg3[%add3A_17] : memref<98304xi32, #tpu.memory_space<hbm>> -> memref<384xi32, #tpu.memory_space<hbm>>
      tpu.wait_dma2 semaphore(%run_scoped3A : memref<!tpu.dma_semaphore, #tpu.memory_space<semaphore_mem>>) src(%dma_wait3A_84 : memref<384xi32, #tpu.memory_space<hbm>>) dst(%arg5 : memref<384xi32, #tpu.memory_space<vmem>>)
      tpu.yield
    }) : () -> ()
    %dma_start3A_18 = arith.constant 0 : i32
    %dma_start3A_19 = arith.constant 0 : i32
    %dma_start3A_20 = tpu.memref_slice %arg2[%dma_start3A_18, %dma_start3A_19] : memref<8192x128xf32, #tpu.memory_space<hbm>> -> memref<8192x128xf32, #tpu.memory_space<hbm>>
    tpu.enqueue_indirect_dma source(%dma_start3A_20 : memref<8192x128xf32, #tpu.memory_space<hbm>>) target(%arg7 : memref<384x128xf32, #tpu.memory_space<vmem>>) offsets(%arg5 : memref<384xi32, #tpu.memory_space<vmem>>) semaphore(%arg9 : memref<!tpu.dma_semaphore, #tpu.memory_space<semaphore_mem>>)
    %dma_wait3A_21 = arith.constant 0 : i32
    %dma_wait3A_22 = arith.constant 0 : i32
    %dma_wait3A_23 = tpu.memref_slice %arg2[%dma_wait3A_21, %dma_wait3A_22] : memref<8192x128xf32, #tpu.memory_space<hbm>> -> memref<8192x128xf32, #tpu.memory_space<hbm>>
    tpu.wait_indirect_dma semaphore(%arg10 : memref<!tpu.dma_semaphore, #tpu.memory_space<semaphore_mem>>) src(%dma_wait3A_23 : memref<8192x128xf32, #tpu.memory_space<hbm>>) dst(%arg8 : memref<384x128xf32, #tpu.memory_space<vmem>>)
    %add3A_24 = arith.constant 384 : i32
    %add3A_25 = arith.addi %mul3A_2, %add3A_24 : i32
    "tpu.region"() ({
      %run_scoped3A = tpu.sem_alloc : memref<!tpu.dma_semaphore, #tpu.memory_space<semaphore_mem>>
      %dma_start3A_81 = arith.constant 0 : i32
      %dma_start3A_82 = tpu.memref_slice %arg4[%add3A_25, %dma_start3A_81] : memref<98304x128xf32, #tpu.memory_space<hbm>> -> memref<384x128xf32, #tpu.memory_space<hbm>>
      %dma_start3A_83 = arith.constant 0 : i32
      %dma_start3A_84 = tpu.memref_slice %arg4[%add3A_25, %dma_start3A_83] : memref<98304x128xf32, #tpu.memory_space<hbm>> -> memref<384x128xf32, #tpu.memory_space<hbm>>
      tpu.enqueue_dma source(%arg8 : memref<384x128xf32, #tpu.memory_space<vmem>>) target(%dma_start3A_84 : memref<384x128xf32, #tpu.memory_space<hbm>>) target_semaphore(%run_scoped3A : memref<!tpu.dma_semaphore, #tpu.memory_space<semaphore_mem>>)
      %dma_wait3A_85 = arith.constant 0 : i32
      %dma_wait3A_86 = tpu.memref_slice %arg4[%add3A_25, %dma_wait3A_85] : memref<98304x128xf32, #tpu.memory_space<hbm>> -> memref<384x128xf32, #tpu.memory_space<hbm>>
      %dma_wait3A_87 = arith.constant 0 : i32
      %dma_wait3A_88 = tpu.memref_slice %arg4[%add3A_25, %dma_wait3A_87] : memref<98304x128xf32, #tpu.memory_space<hbm>> -> memref<384x128xf32, #tpu.memory_space<hbm>>
      tpu.wait_dma2 semaphore(%run_scoped3A : memref<!tpu.dma_semaphore, #tpu.memory_space<semaphore_mem>>) src(%arg8 : memref<384x128xf32, #tpu.memory_space<vmem>>) dst(%dma_wait3A_88 : memref<384x128xf32, #tpu.memory_space<hbm>>)
      tpu.yield
    }) : () -> ()
    %add3A_26 = arith.constant 1152 : i32
    %add3A_27 = arith.addi %mul3A_2, %add3A_26 : i32
    "tpu.region"() ({
      %run_scoped3A = tpu.sem_alloc : memref<!tpu.dma_semaphore, #tpu.memory_space<semaphore_mem>>
      %dma_start3A_81 = tpu.memref_slice %arg3[%add3A_27] : memref<98304xi32, #tpu.memory_space<hbm>> -> memref<384xi32, #tpu.memory_space<hbm>>
      %dma_start3A_82 = tpu.memref_slice %arg3[%add3A_27] : memref<98304xi32, #tpu.memory_space<hbm>> -> memref<384xi32, #tpu.memory_space<hbm>>
      tpu.enqueue_dma source(%dma_start3A_82 : memref<384xi32, #tpu.memory_space<hbm>>) target(%arg6 : memref<384xi32, #tpu.memory_space<vmem>>) target_semaphore(%run_scoped3A : memref<!tpu.dma_semaphore, #tpu.memory_space<semaphore_mem>>)
      %dma_wait3A_83 = tpu.memref_slice %arg3[%add3A_27] : memref<98304xi32, #tpu.memory_space<hbm>> -> memref<384xi32, #tpu.memory_space<hbm>>
      %dma_wait3A_84 = tpu.memref_slice %arg3[%add3A_27] : memref<98304xi32, #tpu.memory_space<hbm>> -> memref<384xi32, #tpu.memory_space<hbm>>
      tpu.wait_dma2 semaphore(%run_scoped3A : memref<!tpu.dma_semaphore, #tpu.memory_space<semaphore_mem>>) src(%dma_wait3A_84 : memref<384xi32, #tpu.memory_space<hbm>>) dst(%arg6 : memref<384xi32, #tpu.memory_space<vmem>>)
      tpu.yield
    }) : () -> ()
    %dma_start3A_28 = arith.constant 0 : i32
    %dma_start3A_29 = arith.constant 0 : i32
    %dma_start3A_30 = tpu.memref_slice %arg2[%dma_start3A_28, %dma_start3A_29] : memref<8192x128xf32, #tpu.memory_space<hbm>> -> memref<8192x128xf32, #tpu.memory_space<hbm>>
    tpu.enqueue_indirect_dma source(%dma_start3A_30 : memref<8192x128xf32, #tpu.memory_space<hbm>>) target(%arg8 : memref<384x128xf32, #tpu.memory_space<vmem>>) offsets(%arg6 : memref<384xi32, #tpu.memory_space<vmem>>) semaphore(%arg10 : memref<!tpu.dma_semaphore, #tpu.memory_space<semaphore_mem>>)
    %dma_wait3A_31 = arith.constant 0 : i32
    %dma_wait3A_32 = arith.constant 0 : i32
    %dma_wait3A_33 = tpu.memref_slice %arg2[%dma_wait3A_31, %dma_wait3A_32] : memref<8192x128xf32, #tpu.memory_space<hbm>> -> memref<8192x128xf32, #tpu.memory_space<hbm>>
    tpu.wait_indirect_dma semaphore(%arg9 : memref<!tpu.dma_semaphore, #tpu.memory_space<semaphore_mem>>) src(%dma_wait3A_33 : memref<8192x128xf32, #tpu.memory_space<hbm>>) dst(%arg7 : memref<384x128xf32, #tpu.memory_space<vmem>>)
    %add3A_34 = arith.constant 768 : i32
    %add3A_35 = arith.addi %mul3A_2, %add3A_34 : i32
    "tpu.region"() ({
      %run_scoped3A = tpu.sem_alloc : memref<!tpu.dma_semaphore, #tpu.memory_space<semaphore_mem>>
      %dma_start3A_81 = arith.constant 0 : i32
      %dma_start3A_82 = tpu.memref_slice %arg4[%add3A_35, %dma_start3A_81] : memref<98304x128xf32, #tpu.memory_space<hbm>> -> memref<384x128xf32, #tpu.memory_space<hbm>>
      %dma_start3A_83 = arith.constant 0 : i32
      %dma_start3A_84 = tpu.memref_slice %arg4[%add3A_35, %dma_start3A_83] : memref<98304x128xf32, #tpu.memory_space<hbm>> -> memref<384x128xf32, #tpu.memory_space<hbm>>
      tpu.enqueue_dma source(%arg7 : memref<384x128xf32, #tpu.memory_space<vmem>>) target(%dma_start3A_84 : memref<384x128xf32, #tpu.memory_space<hbm>>) target_semaphore(%run_scoped3A : memref<!tpu.dma_semaphore, #tpu.memory_space<semaphore_mem>>)
      %dma_wait3A_85 = arith.constant 0 : i32
      %dma_wait3A_86 = tpu.memref_slice %arg4[%add3A_35, %dma_wait3A_85] : memref<98304x128xf32, #tpu.memory_space<hbm>> -> memref<384x128xf32, #tpu.memory_space<hbm>>
      %dma_wait3A_87 = arith.constant 0 : i32
      %dma_wait3A_88 = tpu.memref_slice %arg4[%add3A_35, %dma_wait3A_87] : memref<98304x128xf32, #tpu.memory_space<hbm>> -> memref<384x128xf32, #tpu.memory_space<hbm>>
      tpu.wait_dma2 semaphore(%run_scoped3A : memref<!tpu.dma_semaphore, #tpu.memory_space<semaphore_mem>>) src(%arg7 : memref<384x128xf32, #tpu.memory_space<vmem>>) dst(%dma_wait3A_88 : memref<384x128xf32, #tpu.memory_space<hbm>>)
      tpu.yield
    }) : () -> ()
    %add3A_36 = arith.constant 1536 : i32
    %add3A_37 = arith.addi %mul3A_2, %add3A_36 : i32
    "tpu.region"() ({
      %run_scoped3A = tpu.sem_alloc : memref<!tpu.dma_semaphore, #tpu.memory_space<semaphore_mem>>
      %dma_start3A_81 = tpu.memref_slice %arg3[%add3A_37] : memref<98304xi32, #tpu.memory_space<hbm>> -> memref<384xi32, #tpu.memory_space<hbm>>
      %dma_start3A_82 = tpu.memref_slice %arg3[%add3A_37] : memref<98304xi32, #tpu.memory_space<hbm>> -> memref<384xi32, #tpu.memory_space<hbm>>
      tpu.enqueue_dma source(%dma_start3A_82 : memref<384xi32, #tpu.memory_space<hbm>>) target(%arg5 : memref<384xi32, #tpu.memory_space<vmem>>) target_semaphore(%run_scoped3A : memref<!tpu.dma_semaphore, #tpu.memory_space<semaphore_mem>>)
      %dma_wait3A_83 = tpu.memref_slice %arg3[%add3A_37] : memref<98304xi32, #tpu.memory_space<hbm>> -> memref<384xi32, #tpu.memory_space<hbm>>
      %dma_wait3A_84 = tpu.memref_slice %arg3[%add3A_37] : memref<98304xi32, #tpu.memory_space<hbm>> -> memref<384xi32, #tpu.memory_space<hbm>>
      tpu.wait_dma2 semaphore(%run_scoped3A : memref<!tpu.dma_semaphore, #tpu.memory_space<semaphore_mem>>) src(%dma_wait3A_84 : memref<384xi32, #tpu.memory_space<hbm>>) dst(%arg5 : memref<384xi32, #tpu.memory_space<vmem>>)
      tpu.yield
    }) : () -> ()
    %dma_start3A_38 = arith.constant 0 : i32
    %dma_start3A_39 = arith.constant 0 : i32
    %dma_start3A_40 = tpu.memref_slice %arg2[%dma_start3A_38, %dma_start3A_39] : memref<8192x128xf32, #tpu.memory_space<hbm>> -> memref<8192x128xf32, #tpu.memory_space<hbm>>
    tpu.enqueue_indirect_dma source(%dma_start3A_40 : memref<8192x128xf32, #tpu.memory_space<hbm>>) target(%arg7 : memref<384x128xf32, #tpu.memory_space<vmem>>) offsets(%arg5 : memref<384xi32, #tpu.memory_space<vmem>>) semaphore(%arg9 : memref<!tpu.dma_semaphore, #tpu.memory_space<semaphore_mem>>)
    %dma_wait3A_41 = arith.constant 0 : i32
    %dma_wait3A_42 = arith.constant 0 : i32
    %dma_wait3A_43 = tpu.memref_slice %arg2[%dma_wait3A_41, %dma_wait3A_42] : memref<8192x128xf32, #tpu.memory_space<hbm>> -> memref<8192x128xf32, #tpu.memory_space<hbm>>
    tpu.wait_indirect_dma semaphore(%arg10 : memref<!tpu.dma_semaphore, #tpu.memory_space<semaphore_mem>>) src(%dma_wait3A_43 : memref<8192x128xf32, #tpu.memory_space<hbm>>) dst(%arg8 : memref<384x128xf32, #tpu.memory_space<vmem>>)
    %add3A_44 = arith.constant 1152 : i32
    %add3A_45 = arith.addi %mul3A_2, %add3A_44 : i32
    "tpu.region"() ({
      %run_scoped3A = tpu.sem_alloc : memref<!tpu.dma_semaphore, #tpu.memory_space<semaphore_mem>>
      %dma_start3A_81 = arith.constant 0 : i32
      %dma_start3A_82 = tpu.memref_slice %arg4[%add3A_45, %dma_start3A_81] : memref<98304x128xf32, #tpu.memory_space<hbm>> -> memref<384x128xf32, #tpu.memory_space<hbm>>
      %dma_start3A_83 = arith.constant 0 : i32
      %dma_start3A_84 = tpu.memref_slice %arg4[%add3A_45, %dma_start3A_83] : memref<98304x128xf32, #tpu.memory_space<hbm>> -> memref<384x128xf32, #tpu.memory_space<hbm>>
      tpu.enqueue_dma source(%arg8 : memref<384x128xf32, #tpu.memory_space<vmem>>) target(%dma_start3A_84 : memref<384x128xf32, #tpu.memory_space<hbm>>) target_semaphore(%run_scoped3A : memref<!tpu.dma_semaphore, #tpu.memory_space<semaphore_mem>>)
      %dma_wait3A_85 = arith.constant 0 : i32
      %dma_wait3A_86 = tpu.memref_slice %arg4[%add3A_45, %dma_wait3A_85] : memref<98304x128xf32, #tpu.memory_space<hbm>> -> memref<384x128xf32, #tpu.memory_space<hbm>>
      %dma_wait3A_87 = arith.constant 0 : i32
      %dma_wait3A_88 = tpu.memref_slice %arg4[%add3A_45, %dma_wait3A_87] : memref<98304x128xf32, #tpu.memory_space<hbm>> -> memref<384x128xf32, #tpu.memory_space<hbm>>
      tpu.wait_dma2 semaphore(%run_scoped3A : memref<!tpu.dma_semaphore, #tpu.memory_space<semaphore_mem>>) src(%arg8 : memref<384x128xf32, #tpu.memory_space<vmem>>) dst(%dma_wait3A_88 : memref<384x128xf32, #tpu.memory_space<hbm>>)
      tpu.yield
    }) : () -> ()
    %add3A_46 = arith.constant 1920 : i32
    %add3A_47 = arith.addi %mul3A_2, %add3A_46 : i32
    "tpu.region"() ({
      %run_scoped3A = tpu.sem_alloc : memref<!tpu.dma_semaphore, #tpu.memory_space<semaphore_mem>>
      %dma_start3A_81 = tpu.memref_slice %arg3[%add3A_47] : memref<98304xi32, #tpu.memory_space<hbm>> -> memref<384xi32, #tpu.memory_space<hbm>>
      %dma_start3A_82 = tpu.memref_slice %arg3[%add3A_47] : memref<98304xi32, #tpu.memory_space<hbm>> -> memref<384xi32, #tpu.memory_space<hbm>>
      tpu.enqueue_dma source(%dma_start3A_82 : memref<384xi32, #tpu.memory_space<hbm>>) target(%arg6 : memref<384xi32, #tpu.memory_space<vmem>>) target_semaphore(%run_scoped3A : memref<!tpu.dma_semaphore, #tpu.memory_space<semaphore_mem>>)
      %dma_wait3A_83 = tpu.memref_slice %arg3[%add3A_47] : memref<98304xi32, #tpu.memory_space<hbm>> -> memref<384xi32, #tpu.memory_space<hbm>>
      %dma_wait3A_84 = tpu.memref_slice %arg3[%add3A_47] : memref<98304xi32, #tpu.memory_space<hbm>> -> memref<384xi32, #tpu.memory_space<hbm>>
      tpu.wait_dma2 semaphore(%run_scoped3A : memref<!tpu.dma_semaphore, #tpu.memory_space<semaphore_mem>>) src(%dma_wait3A_84 : memref<384xi32, #tpu.memory_space<hbm>>) dst(%arg6 : memref<384xi32, #tpu.memory_space<vmem>>)
      tpu.yield
    }) : () -> ()
    %dma_start3A_48 = arith.constant 0 : i32
    %dma_start3A_49 = arith.constant 0 : i32
    %dma_start3A_50 = tpu.memref_slice %arg2[%dma_start3A_48, %dma_start3A_49] : memref<8192x128xf32, #tpu.memory_space<hbm>> -> memref<8192x128xf32, #tpu.memory_space<hbm>>
    tpu.enqueue_indirect_dma source(%dma_start3A_50 : memref<8192x128xf32, #tpu.memory_space<hbm>>) target(%arg8 : memref<384x128xf32, #tpu.memory_space<vmem>>) offsets(%arg6 : memref<384xi32, #tpu.memory_space<vmem>>) semaphore(%arg10 : memref<!tpu.dma_semaphore, #tpu.memory_space<semaphore_mem>>)
    %dma_wait3A_51 = arith.constant 0 : i32
    %dma_wait3A_52 = arith.constant 0 : i32
    %dma_wait3A_53 = tpu.memref_slice %arg2[%dma_wait3A_51, %dma_wait3A_52] : memref<8192x128xf32, #tpu.memory_space<hbm>> -> memref<8192x128xf32, #tpu.memory_space<hbm>>
    tpu.wait_indirect_dma semaphore(%arg9 : memref<!tpu.dma_semaphore, #tpu.memory_space<semaphore_mem>>) src(%dma_wait3A_53 : memref<8192x128xf32, #tpu.memory_space<hbm>>) dst(%arg7 : memref<384x128xf32, #tpu.memory_space<vmem>>)
    %add3A_54 = arith.constant 1536 : i32
    %add3A_55 = arith.addi %mul3A_2, %add3A_54 : i32
    "tpu.region"() ({
      %run_scoped3A = tpu.sem_alloc : memref<!tpu.dma_semaphore, #tpu.memory_space<semaphore_mem>>
      %dma_start3A_81 = arith.constant 0 : i32
      %dma_start3A_82 = tpu.memref_slice %arg4[%add3A_55, %dma_start3A_81] : memref<98304x128xf32, #tpu.memory_space<hbm>> -> memref<384x128xf32, #tpu.memory_space<hbm>>
      %dma_start3A_83 = arith.constant 0 : i32
      %dma_start3A_84 = tpu.memref_slice %arg4[%add3A_55, %dma_start3A_83] : memref<98304x128xf32, #tpu.memory_space<hbm>> -> memref<384x128xf32, #tpu.memory_space<hbm>>
      tpu.enqueue_dma source(%arg7 : memref<384x128xf32, #tpu.memory_space<vmem>>) target(%dma_start3A_84 : memref<384x128xf32, #tpu.memory_space<hbm>>) target_semaphore(%run_scoped3A : memref<!tpu.dma_semaphore, #tpu.memory_space<semaphore_mem>>)
      %dma_wait3A_85 = arith.constant 0 : i32
      %dma_wait3A_86 = tpu.memref_slice %arg4[%add3A_55, %dma_wait3A_85] : memref<98304x128xf32, #tpu.memory_space<hbm>> -> memref<384x128xf32, #tpu.memory_space<hbm>>
      %dma_wait3A_87 = arith.constant 0 : i32
      %dma_wait3A_88 = tpu.memref_slice %arg4[%add3A_55, %dma_wait3A_87] : memref<98304x128xf32, #tpu.memory_space<hbm>> -> memref<384x128xf32, #tpu.memory_space<hbm>>
      tpu.wait_dma2 semaphore(%run_scoped3A : memref<!tpu.dma_semaphore, #tpu.memory_space<semaphore_mem>>) src(%arg7 : memref<384x128xf32, #tpu.memory_space<vmem>>) dst(%dma_wait3A_88 : memref<384x128xf32, #tpu.memory_space<hbm>>)
      tpu.yield
    }) : () -> ()
    %add3A_56 = arith.constant 2304 : i32
    %add3A_57 = arith.addi %mul3A_2, %add3A_56 : i32
    "tpu.region"() ({
      %run_scoped3A = tpu.sem_alloc : memref<!tpu.dma_semaphore, #tpu.memory_space<semaphore_mem>>
      %dma_start3A_81 = tpu.memref_slice %arg3[%add3A_57] : memref<98304xi32, #tpu.memory_space<hbm>> -> memref<384xi32, #tpu.memory_space<hbm>>
      %dma_start3A_82 = tpu.memref_slice %arg3[%add3A_57] : memref<98304xi32, #tpu.memory_space<hbm>> -> memref<384xi32, #tpu.memory_space<hbm>>
      tpu.enqueue_dma source(%dma_start3A_82 : memref<384xi32, #tpu.memory_space<hbm>>) target(%arg5 : memref<384xi32, #tpu.memory_space<vmem>>) target_semaphore(%run_scoped3A : memref<!tpu.dma_semaphore, #tpu.memory_space<semaphore_mem>>)
      %dma_wait3A_83 = tpu.memref_slice %arg3[%add3A_57] : memref<98304xi32, #tpu.memory_space<hbm>> -> memref<384xi32, #tpu.memory_space<hbm>>
      %dma_wait3A_84 = tpu.memref_slice %arg3[%add3A_57] : memref<98304xi32, #tpu.memory_space<hbm>> -> memref<384xi32, #tpu.memory_space<hbm>>
      tpu.wait_dma2 semaphore(%run_scoped3A : memref<!tpu.dma_semaphore, #tpu.memory_space<semaphore_mem>>) src(%dma_wait3A_84 : memref<384xi32, #tpu.memory_space<hbm>>) dst(%arg5 : memref<384xi32, #tpu.memory_space<vmem>>)
      tpu.yield
    }) : () -> ()
    %dma_start3A_58 = arith.constant 0 : i32
    %dma_start3A_59 = arith.constant 0 : i32
    %dma_start3A_60 = tpu.memref_slice %arg2[%dma_start3A_58, %dma_start3A_59] : memref<8192x128xf32, #tpu.memory_space<hbm>> -> memref<8192x128xf32, #tpu.memory_space<hbm>>
    tpu.enqueue_indirect_dma source(%dma_start3A_60 : memref<8192x128xf32, #tpu.memory_space<hbm>>) target(%arg7 : memref<384x128xf32, #tpu.memory_space<vmem>>) offsets(%arg5 : memref<384xi32, #tpu.memory_space<vmem>>) semaphore(%arg9 : memref<!tpu.dma_semaphore, #tpu.memory_space<semaphore_mem>>)
    %dma_wait3A_61 = arith.constant 0 : i32
    %dma_wait3A_62 = arith.constant 0 : i32
    %dma_wait3A_63 = tpu.memref_slice %arg2[%dma_wait3A_61, %dma_wait3A_62] : memref<8192x128xf32, #tpu.memory_space<hbm>> -> memref<8192x128xf32, #tpu.memory_space<hbm>>
    tpu.wait_indirect_dma semaphore(%arg10 : memref<!tpu.dma_semaphore, #tpu.memory_space<semaphore_mem>>) src(%dma_wait3A_63 : memref<8192x128xf32, #tpu.memory_space<hbm>>) dst(%arg8 : memref<384x128xf32, #tpu.memory_space<vmem>>)
    %add3A_64 = arith.constant 1920 : i32
    %add3A_65 = arith.addi %mul3A_2, %add3A_64 : i32
    "tpu.region"() ({
      %run_scoped3A = tpu.sem_alloc : memref<!tpu.dma_semaphore, #tpu.memory_space<semaphore_mem>>
      %dma_start3A_81 = arith.constant 0 : i32
      %dma_start3A_82 = tpu.memref_slice %arg4[%add3A_65, %dma_start3A_81] : memref<98304x128xf32, #tpu.memory_space<hbm>> -> memref<384x128xf32, #tpu.memory_space<hbm>>
      %dma_start3A_83 = arith.constant 0 : i32
      %dma_start3A_84 = tpu.memref_slice %arg4[%add3A_65, %dma_start3A_83] : memref<98304x128xf32, #tpu.memory_space<hbm>> -> memref<384x128xf32, #tpu.memory_space<hbm>>
      tpu.enqueue_dma source(%arg8 : memref<384x128xf32, #tpu.memory_space<vmem>>) target(%dma_start3A_84 : memref<384x128xf32, #tpu.memory_space<hbm>>) target_semaphore(%run_scoped3A : memref<!tpu.dma_semaphore, #tpu.memory_space<semaphore_mem>>)
      %dma_wait3A_85 = arith.constant 0 : i32
      %dma_wait3A_86 = tpu.memref_slice %arg4[%add3A_65, %dma_wait3A_85] : memref<98304x128xf32, #tpu.memory_space<hbm>> -> memref<384x128xf32, #tpu.memory_space<hbm>>
      %dma_wait3A_87 = arith.constant 0 : i32
      %dma_wait3A_88 = tpu.memref_slice %arg4[%add3A_65, %dma_wait3A_87] : memref<98304x128xf32, #tpu.memory_space<hbm>> -> memref<384x128xf32, #tpu.memory_space<hbm>>
      tpu.wait_dma2 semaphore(%run_scoped3A : memref<!tpu.dma_semaphore, #tpu.memory_space<semaphore_mem>>) src(%arg8 : memref<384x128xf32, #tpu.memory_space<vmem>>) dst(%dma_wait3A_88 : memref<384x128xf32, #tpu.memory_space<hbm>>)
      tpu.yield
    }) : () -> ()
    %add3A_66 = arith.constant 2688 : i32
    %add3A_67 = arith.addi %mul3A_2, %add3A_66 : i32
    "tpu.region"() ({
      %run_scoped3A = tpu.sem_alloc : memref<!tpu.dma_semaphore, #tpu.memory_space<semaphore_mem>>
      %dma_start3A_81 = tpu.memref_slice %arg3[%add3A_67] : memref<98304xi32, #tpu.memory_space<hbm>> -> memref<384xi32, #tpu.memory_space<hbm>>
      %dma_start3A_82 = tpu.memref_slice %arg3[%add3A_67] : memref<98304xi32, #tpu.memory_space<hbm>> -> memref<384xi32, #tpu.memory_space<hbm>>
      tpu.enqueue_dma source(%dma_start3A_82 : memref<384xi32, #tpu.memory_space<hbm>>) target(%arg6 : memref<384xi32, #tpu.memory_space<vmem>>) target_semaphore(%run_scoped3A : memref<!tpu.dma_semaphore, #tpu.memory_space<semaphore_mem>>)
      %dma_wait3A_83 = tpu.memref_slice %arg3[%add3A_67] : memref<98304xi32, #tpu.memory_space<hbm>> -> memref<384xi32, #tpu.memory_space<hbm>>
      %dma_wait3A_84 = tpu.memref_slice %arg3[%add3A_67] : memref<98304xi32, #tpu.memory_space<hbm>> -> memref<384xi32, #tpu.memory_space<hbm>>
      tpu.wait_dma2 semaphore(%run_scoped3A : memref<!tpu.dma_semaphore, #tpu.memory_space<semaphore_mem>>) src(%dma_wait3A_84 : memref<384xi32, #tpu.memory_space<hbm>>) dst(%arg6 : memref<384xi32, #tpu.memory_space<vmem>>)
      tpu.yield
    }) : () -> ()
    %dma_start3A_68 = arith.constant 0 : i32
    %dma_start3A_69 = arith.constant 0 : i32
    %dma_start3A_70 = tpu.memref_slice %arg2[%dma_start3A_68, %dma_start3A_69] : memref<8192x128xf32, #tpu.memory_space<hbm>> -> memref<8192x128xf32, #tpu.memory_space<hbm>>
    tpu.enqueue_indirect_dma source(%dma_start3A_70 : memref<8192x128xf32, #tpu.memory_space<hbm>>) target(%arg8 : memref<384x128xf32, #tpu.memory_space<vmem>>) offsets(%arg6 : memref<384xi32, #tpu.memory_space<vmem>>) semaphore(%arg10 : memref<!tpu.dma_semaphore, #tpu.memory_space<semaphore_mem>>)
    %dma_wait3A_71 = arith.constant 0 : i32
    %dma_wait3A_72 = arith.constant 0 : i32
    %dma_wait3A_73 = tpu.memref_slice %arg2[%dma_wait3A_71, %dma_wait3A_72] : memref<8192x128xf32, #tpu.memory_space<hbm>> -> memref<8192x128xf32, #tpu.memory_space<hbm>>
    tpu.wait_indirect_dma semaphore(%arg9 : memref<!tpu.dma_semaphore, #tpu.memory_space<semaphore_mem>>) src(%dma_wait3A_73 : memref<8192x128xf32, #tpu.memory_space<hbm>>) dst(%arg7 : memref<384x128xf32, #tpu.memory_space<vmem>>)
    %add3A_74 = arith.constant 2304 : i32
    %add3A_75 = arith.addi %mul3A_2, %add3A_74 : i32
    "tpu.region"() ({
      %run_scoped3A = tpu.sem_alloc : memref<!tpu.dma_semaphore, #tpu.memory_space<semaphore_mem>>
      %dma_start3A_81 = arith.constant 0 : i32
      %dma_start3A_82 = tpu.memref_slice %arg4[%add3A_75, %dma_start3A_81] : memref<98304x128xf32, #tpu.memory_space<hbm>> -> memref<384x128xf32, #tpu.memory_space<hbm>>
      %dma_start3A_83 = arith.constant 0 : i32
      %dma_start3A_84 = tpu.memref_slice %arg4[%add3A_75, %dma_start3A_83] : memref<98304x128xf32, #tpu.memory_space<hbm>> -> memref<384x128xf32, #tpu.memory_space<hbm>>
      tpu.enqueue_dma source(%arg7 : memref<384x128xf32, #tpu.memory_space<vmem>>) target(%dma_start3A_84 : memref<384x128xf32, #tpu.memory_space<hbm>>) target_semaphore(%run_scoped3A : memref<!tpu.dma_semaphore, #tpu.memory_space<semaphore_mem>>)
      %dma_wait3A_85 = arith.constant 0 : i32
      %dma_wait3A_86 = tpu.memref_slice %arg4[%add3A_75, %dma_wait3A_85] : memref<98304x128xf32, #tpu.memory_space<hbm>> -> memref<384x128xf32, #tpu.memory_space<hbm>>
      %dma_wait3A_87 = arith.constant 0 : i32
      %dma_wait3A_88 = tpu.memref_slice %arg4[%add3A_75, %dma_wait3A_87] : memref<98304x128xf32, #tpu.memory_space<hbm>> -> memref<384x128xf32, #tpu.memory_space<hbm>>
      tpu.wait_dma2 semaphore(%run_scoped3A : memref<!tpu.dma_semaphore, #tpu.memory_space<semaphore_mem>>) src(%arg7 : memref<384x128xf32, #tpu.memory_space<vmem>>) dst(%dma_wait3A_88 : memref<384x128xf32, #tpu.memory_space<hbm>>)
      tpu.yield
    }) : () -> ()
    %dma_wait3A_76 = arith.constant 0 : i32
    %dma_wait3A_77 = arith.constant 0 : i32
    %dma_wait3A_78 = tpu.memref_slice %arg2[%dma_wait3A_76, %dma_wait3A_77] : memref<8192x128xf32, #tpu.memory_space<hbm>> -> memref<8192x128xf32, #tpu.memory_space<hbm>>
    tpu.wait_indirect_dma semaphore(%arg10 : memref<!tpu.dma_semaphore, #tpu.memory_space<semaphore_mem>>) src(%dma_wait3A_78 : memref<8192x128xf32, #tpu.memory_space<hbm>>) dst(%arg8 : memref<384x128xf32, #tpu.memory_space<vmem>>)
    %add3A_79 = arith.constant 2688 : i32
    %add3A_80 = arith.addi %mul3A_2, %add3A_79 : i32
    "tpu.region"() ({
      %run_scoped3A = tpu.sem_alloc : memref<!tpu.dma_semaphore, #tpu.memory_space<semaphore_mem>>
      %dma_start3A_81 = arith.constant 0 : i32
      %dma_start3A_82 = tpu.memref_slice %arg4[%add3A_80, %dma_start3A_81] : memref<98304x128xf32, #tpu.memory_space<hbm>> -> memref<384x128xf32, #tpu.memory_space<hbm>>
      %dma_start3A_83 = arith.constant 0 : i32
      %dma_start3A_84 = tpu.memref_slice %arg4[%add3A_80, %dma_start3A_83] : memref<98304x128xf32, #tpu.memory_space<hbm>> -> memref<384x128xf32, #tpu.memory_space<hbm>>
      tpu.enqueue_dma source(%arg8 : memref<384x128xf32, #tpu.memory_space<vmem>>) target(%dma_start3A_84 : memref<384x128xf32, #tpu.memory_space<hbm>>) target_semaphore(%run_scoped3A : memref<!tpu.dma_semaphore, #tpu.memory_space<semaphore_mem>>)
      %dma_wait3A_85 = arith.constant 0 : i32
      %dma_wait3A_86 = tpu.memref_slice %arg4[%add3A_80, %dma_wait3A_85] : memref<98304x128xf32, #tpu.memory_space<hbm>> -> memref<384x128xf32, #tpu.memory_space<hbm>>
      %dma_wait3A_87 = arith.constant 0 : i32
      %dma_wait3A_88 = tpu.memref_slice %arg4[%add3A_80, %dma_wait3A_87] : memref<98304x128xf32, #tpu.memory_space<hbm>> -> memref<384x128xf32, #tpu.memory_space<hbm>>
      tpu.wait_dma2 semaphore(%run_scoped3A : memref<!tpu.dma_semaphore, #tpu.memory_space<semaphore_mem>>) src(%arg8 : memref<384x128xf32, #tpu.memory_space<vmem>>) dst(%dma_wait3A_88 : memref<384x128xf32, #tpu.memory_space<hbm>>)
      tpu.yield
    }) : () -> ()
    return
  }
}

module attributes {stable_mosaic.version = 14 : i64} {
  func.func @_three_nn_body(%arg0: i32, %arg1: i32, %arg2: memref<1x1024x3xf32, #tpu.memory_space<vmem>>, %arg3: memref<1x1024x3xf32, #tpu.memory_space<vmem>>, %arg4: memref<1x256x1024xf32, #tpu.memory_space<vmem>>, %arg5: memref<128x384xf32, #tpu.memory_space<vmem>>, %arg6: memref<1x3x1024xi32, #tpu.memory_space<vmem>>, %arg7: memref<1x3x1024xf32, #tpu.memory_space<vmem>>, %arg8: memref<1x1024x128xf32, #tpu.memory_space<vmem>>) attributes {dimension_semantics = [#tpu.dimension_semantics<arbitrary>, #tpu.dimension_semantics<arbitrary>], iteration_bounds = array<i64: 8, 4>, scalar_prefetch = 0 : i64, scratch_operands = 0 : i64, tpu.core_type = #tpu.core_type<tc>, window_params = [{transform_indices = @transform_0, window_bounds = array<i64: 1, 1024, 3>}, {transform_indices = @transform_1, window_bounds = array<i64: 1, 1024, 3>}, {transform_indices = @transform_2, window_bounds = array<i64: 1, 256, 1024>}, {pipeline_mode = #tpu.pipeline_mode<synchronous>, transform_indices = @transform_3, window_bounds = array<i64: 128, 384>}, {transform_indices = @transform_4, window_bounds = array<i64: 1, 3, 1024>}, {transform_indices = @transform_5, window_bounds = array<i64: 1, 3, 1024>}, {transform_indices = @transform_6, window_bounds = array<i64: 1, 1024, 128>}]} {
    %eq3A = arith.constant 0 : i32
    %eq3A_0 = arith.cmpi eq, %arg1, %eq3A : i32
    %convert_element_type3A = arith.extui %eq3A_0 : i1 to i32
    %cond3A = arith.constant 0 : i32
    %cond3A_1 = arith.cmpi ne, %convert_element_type3A, %cond3A : i32
    scf.if %cond3A_1 {
      %get3A_137 = arith.constant 0 : index
      %get3A_138 = arith.constant 0 : index
      %get3A_139 = arith.constant 0 : index
      %get3A_140 = vector.load %arg4[%get3A_137, %get3A_138, %get3A_139] : memref<1x256x1024xf32, #tpu.memory_space<vmem>>, vector<1x256x1024xf32>
      %get3A_141 = vector.shape_cast %get3A_140 : vector<1x256x1024xf32> to vector<256x1024xf32>
      %get3A_142 = arith.constant 0 : index
      %get3A_143 = arith.constant 0 : index
      %get3A_144 = vector.load %arg5[%get3A_142, %get3A_143] : memref<128x384xf32, #tpu.memory_space<vmem>>, vector<128x256xf32>
      %dot_general3A_145 = arith.constant dense<0.000000e+00> : vector<1024x128xf32>
      %dot_general3A_146 = tpu.matmul %get3A_141, %get3A_144, %dot_general3A_145 {dimension_numbers = #tpu.dot_dimension_numbers<[0], [1], [1], [0], [0, 1, 1, 0], [], []>, transpose_lhs_hint = false} : vector<256x1024xf32>, vector<128x256xf32>, vector<1024x128xf32> -> vector<1024x128xf32>
      %swap3A_147 = arith.constant 0 : index
      %swap3A_148 = arith.constant 0 : index
      %swap3A_149 = arith.constant 0 : index
      %swap3A_150 = vector.load %arg8[%swap3A_147, %swap3A_148, %swap3A_149] : memref<1x1024x128xf32, #tpu.memory_space<vmem>>, vector<1x1024x128xf32>
      %swap3A_151 = vector.shape_cast %swap3A_150 : vector<1x1024x128xf32> to vector<1024x128xf32>
      %swap3A_152 = vector.shape_cast %dot_general3A_146 : vector<1024x128xf32> to vector<1x1024x128xf32>
      tpu.vector_store %arg8[%swap3A_147, %swap3A_148, %swap3A_149], %swap3A_152 {strides = array<i32>} : memref<1x1024x128xf32, #tpu.memory_space<vmem>>, vector<1x1024x128xf32>,
    } else {
    }
    %get3A = arith.constant 0 : index
    %get3A_2 = arith.constant 0 : index
    %get3A_3 = arith.constant 0 : index
    %get3A_4 = vector.load %arg2[%get3A, %get3A_2, %get3A_3] : memref<1x1024x3xf32, #tpu.memory_space<vmem>>, vector<1x1024x3xf32>
    %get3A_5 = vector.shape_cast %get3A_4 : vector<1x1024x3xf32> to vector<1024x3xf32>
    %get3A_6 = arith.constant 0 : index
    %get3A_7 = arith.constant 0 : index
    %get3A_8 = arith.constant 0 : index
    %get3A_9 = vector.load %arg3[%get3A_6, %get3A_7, %get3A_8] : memref<1x1024x3xf32, #tpu.memory_space<vmem>>, vector<1x1024x3xf32>
    %get3A_10 = vector.shape_cast %get3A_9 : vector<1x1024x3xf32> to vector<1024x3xf32>
    %iota3A = tpu.iota {dimensions = array<i32: 0>} : vector<3x3xi32>
    %iota3A_11 = tpu.iota {dimensions = array<i32: 1>} : vector<3x3xi32>
    %eq3A_12 = arith.cmpi eq, %iota3A, %iota3A_11 : vector<3x3xi32>
    %jit3A = arith.constant 1.000000e+00 : f32
    %jit3A_13 = arith.constant 0.000000e+00 : f32
    %broadcast_in_dim3A = vector.broadcast %jit3A : f32 to vector<3x3xf32>
    %broadcast_in_dim3A_14 = vector.broadcast %jit3A_13 : f32 to vector<3x3xf32>
    %select_n3A = arith.select %eq3A_12, %broadcast_in_dim3A, %broadcast_in_dim3A_14 : vector<3x3xi1>, vector<3x3xf32>
    %dot_general3A = arith.constant dense<0.000000e+00> : vector<3x1024xf32>
    %dot_general3A_15 = tpu.matmul %select_n3A, %get3A_5, %dot_general3A {dimension_numbers = #tpu.dot_dimension_numbers<[1], [1], [0], [0], [0, 0, 1, 0], [], []>, precision = #tpu.contract_precision<fp32>, transpose_lhs_hint = false} : vector<3x3xf32>, vector<1024x3xf32>, vector<3x1024xf32> -> vector<3x1024xf32>
    %slice3A = vector.extract_strided_slice %get3A_10 {offsets = [0, 0], sizes = [1024, 1], strides = [1, 1]} : vector<1024x3xf32> to vector<1024x1xf32>
    %slice3A_16 = vector.extract_strided_slice %dot_general3A_15 {offsets = [0, 0], sizes = [1, 1024], strides = [1, 1]} : vector<3x1024xf32> to vector<1x1024xf32>
    %sub3A = vector.broadcast %slice3A : vector<1024x1xf32> to vector<1024x1024xf32>
    %sub3A_17 = vector.broadcast %slice3A_16 : vector<1x1024xf32> to vector<1024x1024xf32>
    %sub3A_18 = arith.subf %sub3A, %sub3A_17 : vector<1024x1024xf32>
    %mul3A = arith.mulf %sub3A_18, %sub3A_18 : vector<1024x1024xf32>
    %slice3A_19 = vector.extract_strided_slice %get3A_10 {offsets = [0, 1], sizes = [1024, 1], strides = [1, 1]} : vector<1024x3xf32> to vector<1024x1xf32>
    %slice3A_20 = vector.extract_strided_slice %dot_general3A_15 {offsets = [1, 0], sizes = [1, 1024], strides = [1, 1]} : vector<3x1024xf32> to vector<1x1024xf32>
    %sub3A_21 = vector.broadcast %slice3A_19 : vector<1024x1xf32> to vector<1024x1024xf32>
    %sub3A_22 = vector.broadcast %slice3A_20 : vector<1x1024xf32> to vector<1024x1024xf32>
    %sub3A_23 = arith.subf %sub3A_21, %sub3A_22 : vector<1024x1024xf32>
    %mul3A_24 = arith.mulf %sub3A_23, %sub3A_23 : vector<1024x1024xf32>
    %add3A = arith.addf %mul3A, %mul3A_24 : vector<1024x1024xf32>
    %slice3A_25 = vector.extract_strided_slice %get3A_10 {offsets = [0, 2], sizes = [1024, 1], strides = [1, 1]} : vector<1024x3xf32> to vector<1024x1xf32>
    %slice3A_26 = vector.extract_strided_slice %dot_general3A_15 {offsets = [2, 0], sizes = [1, 1024], strides = [1, 1]} : vector<3x1024xf32> to vector<1x1024xf32>
    %sub3A_27 = vector.broadcast %slice3A_25 : vector<1024x1xf32> to vector<1024x1024xf32>
    %sub3A_28 = vector.broadcast %slice3A_26 : vector<1x1024xf32> to vector<1024x1024xf32>
    %sub3A_29 = arith.subf %sub3A_27, %sub3A_28 : vector<1024x1024xf32>
    %mul3A_30 = arith.mulf %sub3A_29, %sub3A_29 : vector<1024x1024xf32>
    %add3A_31 = arith.addf %add3A, %mul3A_30 : vector<1024x1024xf32>
    %iota3A_32 = tpu.iota {dimensions = array<i32: 0>} : vector<1024x1024xi32>
    %reduce_min3A = arith.constant dense<0x7F800000> : vector<1024xf32>
    %reduce_min3A_33 = vector.multi_reduction <minimumf>, %add3A_31, %reduce_min3A [0] : vector<1024x1024xf32> to vector<1024xf32>
    %broadcast_in_dim3A_34 = vector.shape_cast %reduce_min3A_33 : vector<1024xf32> to vector<1x1024xf32>
    %eq3A_35 = vector.broadcast %broadcast_in_dim3A_34 : vector<1x1024xf32> to vector<1024x1024xf32>
    %eq3A_36 = arith.cmpf oeq, %add3A_31, %eq3A_35 : vector<1024x1024xf32>
    %jit3A_37 = arith.constant 1.000000e+30 : f32
    %broadcast_in_dim3A_38 = vector.broadcast %jit3A_37 : f32 to vector<1024x1024xf32>
    %select_n3A_39 = arith.select %eq3A_36, %broadcast_in_dim3A_38, %add3A_31 : vector<1024x1024xi1>, vector<1024x1024xf32>
    %max3A = arith.constant 9.99999996E-13 : f32
    %max3A_40 = vector.broadcast %max3A : f32 to vector<1x1024xf32>
    %max3A_41 = arith.maximumf %broadcast_in_dim3A_34, %max3A_40 : vector<1x1024xf32>
    %sqrt3A = math.sqrt %max3A_41 : vector<1x1024xf32>
    %add3A_42 = arith.constant 9.99999993E-9 : f32
    %add3A_43 = vector.broadcast %add3A_42 : f32 to vector<1x1024xf32>
    %add3A_44 = arith.addf %sqrt3A, %add3A_43 : vector<1x1024xf32>
    %div3A = arith.constant 1.000000e+00 : f32
    %div3A_45 = vector.broadcast %div3A : f32 to vector<1x1024xf32>
    %div3A_46 = arith.divf %div3A_45, %add3A_44 : vector<1x1024xf32>
    %reduce_min3A_47 = arith.constant dense<0x7F800000> : vector<1024xf32>
    %reduce_min3A_48 = vector.multi_reduction <minimumf>, %select_n3A_39, %reduce_min3A_47 [0] : vector<1024x1024xf32> to vector<1024xf32>
    %broadcast_in_dim3A_49 = vector.shape_cast %reduce_min3A_48 : vector<1024xf32> to vector<1x1024xf32>
    %eq3A_50 = vector.broadcast %broadcast_in_dim3A_49 : vector<1x1024xf32> to vector<1024x1024xf32>
    %eq3A_51 = arith.cmpf oeq, %select_n3A_39, %eq3A_50 : vector<1024x1024xf32>
    %jit3A_52 = arith.constant 1.000000e+30 : f32
    %broadcast_in_dim3A_53 = vector.broadcast %jit3A_52 : f32 to vector<1024x1024xf32>
    %select_n3A_54 = arith.select %eq3A_51, %broadcast_in_dim3A_53, %select_n3A_39 : vector<1024x1024xi1>, vector<1024x1024xf32>
    %max3A_55 = arith.constant 9.99999996E-13 : f32
    %max3A_56 = vector.broadcast %max3A_55 : f32 to vector<1x1024xf32>
    %max3A_57 = arith.maximumf %broadcast_in_dim3A_49, %max3A_56 : vector<1x1024xf32>
    %sqrt3A_58 = math.sqrt %max3A_57 : vector<1x1024xf32>
    %add3A_59 = arith.constant 9.99999993E-9 : f32
    %add3A_60 = vector.broadcast %add3A_59 : f32 to vector<1x1024xf32>
    %add3A_61 = arith.addf %sqrt3A_58, %add3A_60 : vector<1x1024xf32>
    %div3A_62 = arith.constant 1.000000e+00 : f32
    %div3A_63 = vector.broadcast %div3A_62 : f32 to vector<1x1024xf32>
    %div3A_64 = arith.divf %div3A_63, %add3A_61 : vector<1x1024xf32>
    %reduce_min3A_65 = arith.constant dense<0x7F800000> : vector<1024xf32>
    %reduce_min3A_66 = vector.multi_reduction <minimumf>, %select_n3A_54, %reduce_min3A_65 [0] : vector<1024x1024xf32> to vector<1024xf32>
    %broadcast_in_dim3A_67 = vector.shape_cast %reduce_min3A_66 : vector<1024xf32> to vector<1x1024xf32>
    %eq3A_68 = vector.broadcast %broadcast_in_dim3A_67 : vector<1x1024xf32> to vector<1024x1024xf32>
    %eq3A_69 = arith.cmpf oeq, %select_n3A_54, %eq3A_68 : vector<1024x1024xf32>
    %max3A_70 = arith.constant 9.99999996E-13 : f32
    %max3A_71 = vector.broadcast %max3A_70 : f32 to vector<1x1024xf32>
    %max3A_72 = arith.maximumf %broadcast_in_dim3A_67, %max3A_71 : vector<1x1024xf32>
    %sqrt3A_73 = math.sqrt %max3A_72 : vector<1x1024xf32>
    %add3A_74 = arith.constant 9.99999993E-9 : f32
    %add3A_75 = vector.broadcast %add3A_74 : f32 to vector<1x1024xf32>
    %add3A_76 = arith.addf %sqrt3A_73, %add3A_75 : vector<1x1024xf32>
    %div3A_77 = arith.constant 1.000000e+00 : f32
    %div3A_78 = vector.broadcast %div3A_77 : f32 to vector<1x1024xf32>
    %div3A_79 = arith.divf %div3A_78, %add3A_76 : vector<1x1024xf32>
    %jit3A_80 = arith.constant 0 : i32
    %broadcast_in_dim3A_81 = vector.broadcast %jit3A_80 : i32 to vector<1024x1024xi32>
    %select_n3A_82 = arith.select %eq3A_36, %iota3A_32, %broadcast_in_dim3A_81 : vector<1024x1024xi1>, vector<1024x1024xi32>
    %mul3A_83 = arith.constant 1024 : i32
    %mul3A_84 = vector.broadcast %mul3A_83 : i32 to vector<1024x1024xi32>
    %mul3A_85 = arith.muli %iota3A_32, %mul3A_84 : vector<1024x1024xi32>
    %jit3A_86 = arith.constant 0 : i32
    %broadcast_in_dim3A_87 = vector.broadcast %jit3A_86 : i32 to vector<1024x1024xi32>
    %select_n3A_88 = arith.select %eq3A_51, %mul3A_85, %broadcast_in_dim3A_87 : vector<1024x1024xi1>, vector<1024x1024xi32>
    %add3A_89 = arith.addi %select_n3A_82, %select_n3A_88 : vector<1024x1024xi32>
    %mul3A_90 = arith.constant 1048576 : i32
    %mul3A_91 = vector.broadcast %mul3A_90 : i32 to vector<1024x1024xi32>
    %mul3A_92 = arith.muli %iota3A_32, %mul3A_91 : vector<1024x1024xi32>
    %jit3A_93 = arith.constant 0 : i32
    %broadcast_in_dim3A_94 = vector.broadcast %jit3A_93 : i32 to vector<1024x1024xi32>
    %select_n3A_95 = arith.select %eq3A_69, %mul3A_92, %broadcast_in_dim3A_94 : vector<1024x1024xi1>, vector<1024x1024xi32>
    %add3A_96 = arith.addi %add3A_89, %select_n3A_95 : vector<1024x1024xi32>
    %reduce_sum3A = arith.constant dense<0> : vector<1024xi32>
    %reduce_sum3A_97 = vector.multi_reduction <add>, %add3A_96, %reduce_sum3A [0] : vector<1024x1024xi32> to vector<1024xi32>
    %broadcast_in_dim3A_98 = vector.shape_cast %reduce_sum3A_97 : vector<1024xi32> to vector<1x1024xi32>
    %and3A = arith.constant 1023 : i32
    %and3A_99 = vector.broadcast %and3A : i32 to vector<1x1024xi32>
    %and3A_100 = arith.andi %broadcast_in_dim3A_98, %and3A_99 : vector<1x1024xi32>
    %shift_right_arithmetic3A = arith.constant 10 : i32
    %shift_right_arithmetic3A_101 = vector.broadcast %shift_right_arithmetic3A : i32 to vector<1x1024xi32>
    %shift_right_arithmetic3A_102 = arith.shrsi %broadcast_in_dim3A_98, %shift_right_arithmetic3A_101 : vector<1x1024xi32>
    %and3A_103 = arith.constant 1023 : i32
    %and3A_104 = vector.broadcast %and3A_103 : i32 to vector<1x1024xi32>
    %and3A_105 = arith.andi %shift_right_arithmetic3A_102, %and3A_104 : vector<1x1024xi32>
    %shift_right_arithmetic3A_106 = arith.constant 20 : i32
    %shift_right_arithmetic3A_107 = vector.broadcast %shift_right_arithmetic3A_106 : i32 to vector<1x1024xi32>
    %shift_right_arithmetic3A_108 = arith.shrsi %broadcast_in_dim3A_98, %shift_right_arithmetic3A_107 : vector<1x1024xi32>
    %and3A_109 = arith.constant 1023 : i32
    %and3A_110 = vector.broadcast %and3A_109 : i32 to vector<1x1024xi32>
    %and3A_111 = arith.andi %shift_right_arithmetic3A_108, %and3A_110 : vector<1x1024xi32>
    %add3A_112 = arith.addf %div3A_46, %div3A_64 : vector<1x1024xf32>
    %add3A_113 = arith.addf %add3A_112, %div3A_79 : vector<1x1024xf32>
    %concatenate3A = tpu.concatenate %and3A_100, %and3A_105, %and3A_111 in 0 : vector<1x1024xi32>, vector<1x1024xi32>, vector<1x1024xi32> -> vector<3x1024xi32>
    %jit3A_114 = arith.constant 0 : i32
    %jit3A_115 = arith.constant 1023 : i32
    %max3A_116 = vector.broadcast %jit3A_114 : i32 to vector<3x1024xi32>
    %max3A_117 = arith.maxsi %max3A_116, %concatenate3A : vector<3x1024xi32>
    %min3A = vector.broadcast %jit3A_115 : i32 to vector<3x1024xi32>
    %min3A_118 = arith.minsi %min3A, %max3A_117 : vector<3x1024xi32>
    %mul3A_119 = arith.constant 1024 : i32
    %mul3A_120 = arith.muli %arg0, %mul3A_119 : i32
    %add3A_121 = vector.broadcast %mul3A_120 : i32 to vector<3x1024xi32>
    %add3A_122 = arith.addi %min3A_118, %add3A_121 : vector<3x1024xi32>
    %concatenate3A_123 = tpu.concatenate %div3A_46, %div3A_64, %div3A_79 in 0 : vector<1x1024xf32>, vector<1x1024xf32>, vector<1x1024xf32> -> vector<3x1024xf32>
    %div3A_124 = vector.broadcast %add3A_113 : vector<1x1024xf32> to vector<3x1024xf32>
    %div3A_125 = arith.divf %concatenate3A_123, %div3A_124 : vector<3x1024xf32>
    %swap3A = arith.constant 0 : index
    %swap3A_126 = arith.constant 0 : index
    %swap3A_127 = arith.constant 0 : index
    %swap3A_128 = vector.load %arg6[%swap3A, %swap3A_126, %swap3A_127] : memref<1x3x1024xi32, #tpu.memory_space<vmem>>, vector<1x3x1024xi32>
    %swap3A_129 = vector.shape_cast %swap3A_128 : vector<1x3x1024xi32> to vector<3x1024xi32>
    %swap3A_130 = vector.shape_cast %add3A_122 : vector<3x1024xi32> to vector<1x3x1024xi32>
    tpu.vector_store %arg6[%swap3A, %swap3A_126, %swap3A_127], %swap3A_130 {strides = array<i32>} : memref<1x3x1024xi32, #tpu.memory_space<vmem>>, vector<1x3x1024xi32>,
    %swap3A_131 = arith.constant 0 : index
    %swap3A_132 = arith.constant 0 : index
    %swap3A_133 = arith.constant 0 : index
    %swap3A_134 = vector.load %arg7[%swap3A_131, %swap3A_132, %swap3A_133] : memref<1x3x1024xf32, #tpu.memory_space<vmem>>, vector<1x3x1024xf32>
    %swap3A_135 = vector.shape_cast %swap3A_134 : vector<1x3x1024xf32> to vector<3x1024xf32>
    %swap3A_136 = vector.shape_cast %div3A_125 : vector<3x1024xf32> to vector<1x3x1024xf32>
    tpu.vector_store %arg7[%swap3A_131, %swap3A_132, %swap3A_133], %swap3A_136 {strides = array<i32>} : memref<1x3x1024xf32, #tpu.memory_space<vmem>>, vector<1x3x1024xf32>,
    return
  }
  func.func @transform_0(%arg0: i32, %arg1: i32) -> (i32, i32, i32) {
    %c0_i32 = arith.constant 0 : i32
    %c0_i32_0 = arith.constant 0 : i32
    return %arg0, %arg1, %c0_i32 : i32, i32, i32
  }
  func.func @transform_1(%arg0: i32, %arg1: i32) -> (i32, i32, i32) {
    %c0_i32 = arith.constant 0 : i32
    %c0_i32_0 = arith.constant 0 : i32
    %c0_i32_1 = arith.constant 0 : i32
    return %arg0, %c0_i32, %c0_i32_0 : i32, i32, i32
  }
  func.func @transform_2(%arg0: i32, %arg1: i32) -> (i32, i32, i32) {
    %c0_i32 = arith.constant 0 : i32
    %c0_i32_0 = arith.constant 0 : i32
    %c0_i32_1 = arith.constant 0 : i32
    return %arg0, %c0_i32, %c0_i32_0 : i32, i32, i32
  }
  func.func @transform_3(%arg0: i32, %arg1: i32) -> (i32, i32) {
    %c0_i32 = arith.constant 0 : i32
    %c0_i32_0 = arith.constant 0 : i32
    %c0_i32_1 = arith.constant 0 : i32
    return %c0_i32, %c0_i32_0 : i32, i32
  }
  func.func @transform_4(%arg0: i32, %arg1: i32) -> (i32, i32, i32) {
    %c0_i32 = arith.constant 0 : i32
    %c0_i32_0 = arith.constant 0 : i32
    return %arg0, %c0_i32, %arg1 : i32, i32, i32
  }
  func.func @transform_5(%arg0: i32, %arg1: i32) -> (i32, i32, i32) {
    %c0_i32 = arith.constant 0 : i32
    %c0_i32_0 = arith.constant 0 : i32
    return %arg0, %c0_i32, %arg1 : i32, i32, i32
  }
  func.func @transform_6(%arg0: i32, %arg1: i32) -> (i32, i32, i32) {
    %c0_i32 = arith.constant 0 : i32
    %c0_i32_0 = arith.constant 0 : i32
    %c0_i32_1 = arith.constant 0 : i32
    return %arg0, %c0_i32, %c0_i32_0 : i32, i32, i32
  }
}

module attributes {stable_mosaic.version = 14 : i64} {
  func.func @_mix_bn_body(%arg0: i32, %arg1: i32, %arg2: i32, %arg3: memref<1x3x1024x128xf32, #tpu.memory_space<vmem>>, %arg4: memref<1x3x1024xf32, #tpu.memory_space<vmem>>, %arg5: memref<1x128x1024xf32, #tpu.memory_space<vmem>>, %arg6: memref<128x384xf32, #tpu.memory_space<vmem>>, %arg7: memref<128x1xf32, #tpu.memory_space<vmem>>, %arg8: memref<128x1xf32, #tpu.memory_space<vmem>>, %arg9: memref<1x128x1024xf32, #tpu.memory_space<vmem>>, %arg10: memref<1024x4096xf32, #tpu.memory_space<vmem>>, %arg11: memref<128x8xf32, #tpu.memory_space<vmem>>) attributes {dimension_semantics = [#tpu.dimension_semantics<arbitrary>, #tpu.dimension_semantics<arbitrary>, #tpu.dimension_semantics<arbitrary>], iteration_bounds = array<i64: 2, 8, 4>, scalar_prefetch = 0 : i64, scratch_operands = 2 : i64, tpu.core_type = #tpu.core_type<tc>, window_params = [{transform_indices = @transform_0, window_bounds = array<i64: 1, 3, 1024, 128>}, {transform_indices = @transform_1, window_bounds = array<i64: 1, 3, 1024>}, {transform_indices = @transform_2, window_bounds = array<i64: 1, 128, 1024>}, {pipeline_mode = #tpu.pipeline_mode<synchronous>, transform_indices = @transform_3, window_bounds = array<i64: 128, 384>}, {pipeline_mode = #tpu.pipeline_mode<synchronous>, transform_indices = @transform_4, window_bounds = array<i64: 128, 1>}, {pipeline_mode = #tpu.pipeline_mode<synchronous>, transform_indices = @transform_5, window_bounds = array<i64: 128, 1>}, {transform_indices = @transform_6, window_bounds = array<i64: 1, 128, 1024>}]} {
    %eq3A = arith.constant 0 : i32
    %eq3A_0 = arith.cmpi eq, %arg0, %eq3A : i32
    %convert_element_type3A = arith.extui %eq3A_0 : i1 to i32
    %cond3A = arith.constant 0 : i32
    %cond3A_1 = arith.cmpi ne, %convert_element_type3A, %cond3A : i32
    scf.if %cond3A_1 {
      %eq3A_7 = arith.constant 0 : i32
      %eq3A_8 = arith.cmpi eq, %arg1, %eq3A_7 : i32
      %eq3A_9 = arith.constant 0 : i32
      %eq3A_10 = arith.cmpi eq, %arg2, %eq3A_9 : i32
      %and3A = arith.andi %eq3A_8, %eq3A_10 : i1
      %get3A = arith.constant 0 : index
      %get3A_11 = arith.constant 0 : index
      %get3A_12 = arith.constant 0 : index
      %get3A_13 = vector.load %arg5[%get3A, %get3A_11, %get3A_12] : memref<1x128x1024xf32, #tpu.memory_space<vmem>>, vector<1x128x1024xf32>
      %get3A_14 = vector.shape_cast %get3A_13 : vector<1x128x1024xf32> to vector<128x1024xf32>
      %get3A_15 = arith.constant 0 : index
      %get3A_16 = arith.constant 256 : index
      %get3A_17 = vector.load %arg6[%get3A_15, %get3A_16] : memref<128x384xf32, #tpu.memory_space<vmem>>, vector<128x128xf32>
      %get3A_18 = arith.constant 0 : index
      %get3A_19 = arith.constant 0 : index
      %get3A_20 = arith.constant 0 : index
      %get3A_21 = vector.load %arg4[%get3A_18, %get3A_19, %get3A_20] : memref<1x3x1024xf32, #tpu.memory_space<vmem>>, vector<1x3x1024xf32>
      %get3A_22 = vector.shape_cast %get3A_21 : vector<1x3x1024xf32> to vector<3x1024xf32>
      %dot_general3A = arith.constant dense<0.000000e+00> : vector<128x1024xf32>
      %dot_general3A_23 = tpu.matmul %get3A_17, %get3A_14, %dot_general3A {dimension_numbers = #tpu.dot_dimension_numbers<[1], [0], [0], [1], [0, 0, 1, 1], [], []>, transpose_lhs_hint = false} : vector<128x128xf32>, vector<128x1024xf32>, vector<128x1024xf32> -> vector<128x1024xf32>
      %iota3A = tpu.iota {dimensions = array<i32: 0>} : vector<128x128xi32>
      %iota3A_24 = tpu.iota {dimensions = array<i32: 1>} : vector<128x128xi32>
      %eq3A_25 = arith.cmpi eq, %iota3A, %iota3A_24 : vector<128x128xi32>
      %jit3A = arith.constant 1.000000e+00 : f32
      %jit3A_26 = arith.constant 0.000000e+00 : f32
      %broadcast_in_dim3A = vector.broadcast %jit3A : f32 to vector<128x128xf32>
      %broadcast_in_dim3A_27 = vector.broadcast %jit3A_26 : f32 to vector<128x128xf32>
      %select_n3A = arith.select %eq3A_25, %broadcast_in_dim3A, %broadcast_in_dim3A_27 : vector<128x128xi1>, vector<128x128xf32>
      %get3A_28 = arith.constant 0 : index
      %get3A_29 = arith.constant 0 : index
      %get3A_30 = arith.constant 0 : index
      %get3A_31 = arith.constant 0 : index
      %get3A_32 = vector.load %arg3[%get3A_28, %get3A_29, %get3A_30, %get3A_31] : memref<1x3x1024x128xf32, #tpu.memory_space<vmem>>, vector<1x1x1024x128xf32>
      %get3A_33 = vector.shape_cast %get3A_32 : vector<1x1x1024x128xf32> to vector<1024x128xf32>
      %dot_general3A_34 = arith.constant dense<0.000000e+00> : vector<128x1024xf32>
      %dot_general3A_35 = tpu.matmul %select_n3A, %get3A_33, %dot_general3A_34 {dimension_numbers = #tpu.dot_dimension_numbers<[1], [1], [0], [0], [0, 0, 1, 0], [], []>, transpose_lhs_hint = false} : vector<128x128xf32>, vector<1024x128xf32>, vector<128x1024xf32> -> vector<128x1024xf32>
      %slice3A = vector.extract_strided_slice %get3A_22 {offsets = [0, 0], sizes = [1, 1024], strides = [1, 1]} : vector<3x1024xf32> to vector<1x1024xf32>
      %mul3A = vector.broadcast %slice3A : vector<1x1024xf32> to vector<128x1024xf32>
      %mul3A_36 = arith.mulf %dot_general3A_35, %mul3A : vector<128x1024xf32>
      %add3A = arith.addf %dot_general3A_23, %mul3A_36 : vector<128x1024xf32>
      %get3A_37 = arith.constant 0 : index
      %get3A_38 = arith.constant 1 : index
      %get3A_39 = arith.constant 0 : index
      %get3A_40 = arith.constant 0 : index
      %get3A_41 = vector.load %arg3[%get3A_37, %get3A_38, %get3A_39, %get3A_40] : memref<1x3x1024x128xf32, #tpu.memory_space<vmem>>, vector<1x1x1024x128xf32>
      %get3A_42 = vector.shape_cast %get3A_41 : vector<1x1x1024x128xf32> to vector<1024x128xf32>
      %dot_general3A_43 = arith.constant dense<0.000000e+00> : vector<128x1024xf32>
      %dot_general3A_44 = tpu.matmul %select_n3A, %get3A_42, %dot_general3A_43 {dimension_numbers = #tpu.dot_dimension_numbers<[1], [1], [0], [0], [0, 0, 1, 0], [], []>, transpose_lhs_hint = false} : vector<128x128xf32>, vector<1024x128xf32>, vector<128x1024xf32> -> vector<128x1024xf32>
      %slice3A_45 = vector.extract_strided_slice %get3A_22 {offsets = [1, 0], sizes = [1, 1024], strides = [1, 1]} : vector<3x1024xf32> to vector<1x1024xf32>
      %mul3A_46 = vector.broadcast %slice3A_45 : vector<1x1024xf32> to vector<128x1024xf32>
      %mul3A_47 = arith.mulf %dot_general3A_44, %mul3A_46 : vector<128x1024xf32>
      %add3A_48 = arith.addf %add3A, %mul3A_47 : vector<128x1024xf32>
      %get3A_49 = arith.constant 0 : index
      %get3A_50 = arith.constant 2 : index
      %get3A_51 = arith.constant 0 : index
      %get3A_52 = arith.constant 0 : index
      %get3A_53 = vector.load %arg3[%get3A_49, %get3A_50, %get3A_51, %get3A_52] : memref<1x3x1024x128xf32, #tpu.memory_space<vmem>>, vector<1x1x1024x128xf32>
      %get3A_54 = vector.shape_cast %get3A_53 : vector<1x1x1024x128xf32> to vector<1024x128xf32>
      %dot_general3A_55 = arith.constant dense<0.000000e+00> : vector<128x1024xf32>
      %dot_general3A_56 = tpu.matmul %select_n3A, %get3A_54, %dot_general3A_55 {dimension_numbers = #tpu.dot_dimension_numbers<[1], [1], [0], [0], [0, 0, 1, 0], [], []>, transpose_lhs_hint = false} : vector<128x128xf32>, vector<1024x128xf32>, vector<128x1024xf32> -> vector<128x1024xf32>
      %slice3A_57 = vector.extract_strided_slice %get3A_22 {offsets = [2, 0], sizes = [1, 1024], strides = [1, 1]} : vector<3x1024xf32> to vector<1x1024xf32>
      %mul3A_58 = vector.broadcast %slice3A_57 : vector<1x1024xf32> to vector<128x1024xf32>
      %mul3A_59 = arith.mulf %dot_general3A_56, %mul3A_58 : vector<128x1024xf32>
      %add3A_60 = arith.addf %add3A_48, %mul3A_59 : vector<128x1024xf32>
      %mul3A_61 = arith.constant 128 : i32
      %mul3A_62 = arith.muli %arg1, %mul3A_61 : i32
      %mul3A_63 = arith.constant 1024 : i32
      %mul3A_64 = arith.muli %arg2, %mul3A_63 : i32
      %swap3A = arith.index_cast %mul3A_62 : i32 to index
      %swap3A_65 = arith.index_cast %mul3A_64 : i32 to index
      %swap3A_66 = vector.load %arg10[%swap3A, %swap3A_65] : memref<1024x4096xf32, #tpu.memory_space<vmem>>, vector<128x1024xf32>
      tpu.vector_store %arg10[%swap3A, %swap3A_65], %add3A_60 {strides = array<i32>} : memref<1024x4096xf32, #tpu.memory_space<vmem>>, vector<128x1024xf32>,
      %reduce_sum3A = arith.constant dense<0.000000e+00> : vector<128xf32>
      %reduce_sum3A_67 = vector.multi_reduction <add>, %add3A_60, %reduce_sum3A [1] : vector<128x1024xf32> to vector<128xf32>
      %broadcast_in_dim3A_68 = vector.shape_cast %reduce_sum3A_67 : vector<128xf32> to vector<128x1xf32>
      %mul3A_69 = arith.mulf %add3A_60, %add3A_60 : vector<128x1024xf32>
      %reduce_sum3A_70 = arith.constant dense<0.000000e+00> : vector<128xf32>
      %reduce_sum3A_71 = vector.multi_reduction <add>, %mul3A_69, %reduce_sum3A_70 [1] : vector<128x1024xf32> to vector<128xf32>
      %broadcast_in_dim3A_72 = vector.shape_cast %reduce_sum3A_71 : vector<128xf32> to vector<128x1xf32>
      %broadcast_in_dim3A_73 = arith.constant 0.000000e+00 : f32
      %broadcast_in_dim3A_74 = vector.broadcast %broadcast_in_dim3A_73 : f32 to vector<128x6xf32>
      %concatenate3A = tpu.concatenate %broadcast_in_dim3A_68, %broadcast_in_dim3A_72, %broadcast_in_dim3A_74 in 1 : vector<128x1xf32>, vector<128x1xf32>, vector<128x6xf32> -> vector<128x8xf32>
      %convert_element_type3A_75 = arith.extui %and3A : i1 to i32
      %cond3A_76 = arith.constant 0 : i32
      %cond3A_77 = arith.cmpi ne, %convert_element_type3A_75, %cond3A_76 : i32
      scf.if %cond3A_77 {
        %broadcast_in_dim3A_85 = arith.constant 0.000000e+00 : f32
        %broadcast_in_dim3A_86 = vector.broadcast %broadcast_in_dim3A_85 : f32 to vector<128x8xf32>
        %swap3A_87 = arith.constant 0 : index
        %swap3A_88 = arith.constant 0 : index
        %swap3A_89 = vector.load %arg11[%swap3A_87, %swap3A_88] : memref<128x8xf32, #tpu.memory_space<vmem>>, vector<128x8xf32>
        tpu.vector_store %arg11[%swap3A_87, %swap3A_88], %broadcast_in_dim3A_86 {strides = array<i32>} : memref<128x8xf32, #tpu.memory_space<vmem>>, vector<128x8xf32>,
      } else {
      }
      %get3A_78 = arith.constant 0 : index
      %get3A_79 = arith.constant 0 : index
      %get3A_80 = vector.load %arg11[%get3A_78, %get3A_79] : memref<128x8xf32, #tpu.memory_space<vmem>>, vector<128x8xf32>
      %add3A_81 = arith.addf %get3A_80, %concatenate3A : vector<128x8xf32>
      %swap3A_82 = arith.constant 0 : index
      %swap3A_83 = arith.constant 0 : index
      %swap3A_84 = vector.load %arg11[%swap3A_82, %swap3A_83] : memref<128x8xf32, #tpu.memory_space<vmem>>, vector<128x8xf32>
      tpu.vector_store %arg11[%swap3A_82, %swap3A_83], %add3A_81 {strides = array<i32>} : memref<128x8xf32, #tpu.memory_space<vmem>>, vector<128x8xf32>,
    } else {
    }
    %eq3A_2 = arith.constant 1 : i32
    %eq3A_3 = arith.cmpi eq, %arg0, %eq3A_2 : i32
    %convert_element_type3A_4 = arith.extui %eq3A_3 : i1 to i32
    %cond3A_5 = arith.constant 0 : i32
    %cond3A_6 = arith.cmpi ne, %convert_element_type3A_4, %cond3A_5 : i32
    scf.if %cond3A_6 {
      %get3A = arith.constant 0 : index
      %get3A_7 = arith.constant 0 : index
      %get3A_8 = vector.load %arg11[%get3A, %get3A_7] : memref<128x8xf32, #tpu.memory_space<vmem>>, vector<128x1xf32>
      %div3A = arith.constant 3.276800e+04 : f32
      %div3A_9 = vector.broadcast %div3A : f32 to vector<128x1xf32>
      %div3A_10 = arith.divf %get3A_8, %div3A_9 : vector<128x1xf32>
      %get3A_11 = arith.constant 0 : index
      %get3A_12 = arith.constant 1 : index
      %get3A_13 = vector.load %arg11[%get3A_11, %get3A_12] : memref<128x8xf32, #tpu.memory_space<vmem>>, vector<128x1xf32>
      %div3A_14 = arith.constant 3.276800e+04 : f32
      %div3A_15 = vector.broadcast %div3A_14 : f32 to vector<128x1xf32>
      %div3A_16 = arith.divf %get3A_13, %div3A_15 : vector<128x1xf32>
      %mul3A = arith.mulf %div3A_10, %div3A_10 : vector<128x1xf32>
      %sub3A = arith.subf %div3A_16, %mul3A : vector<128x1xf32>
      %get3A_17 = arith.constant 0 : index
      %get3A_18 = arith.constant 0 : index
      %get3A_19 = vector.load %arg7[%get3A_17, %get3A_18] : memref<128x1xf32, #tpu.memory_space<vmem>>, vector<128x1xf32>
      %add3A = arith.constant 9.99999974E-6 : f32
      %add3A_20 = vector.broadcast %add3A : f32 to vector<128x1xf32>
      %add3A_21 = arith.addf %sub3A, %add3A_20 : vector<128x1xf32>
      %rsqrt3A = math.rsqrt %add3A_21 : vector<128x1xf32>
      %mul3A_22 = arith.mulf %get3A_19, %rsqrt3A : vector<128x1xf32>
      %get3A_23 = arith.constant 0 : index
      %get3A_24 = arith.constant 0 : index
      %get3A_25 = vector.load %arg8[%get3A_23, %get3A_24] : memref<128x1xf32, #tpu.memory_space<vmem>>, vector<128x1xf32>
      %mul3A_26 = arith.mulf %div3A_10, %mul3A_22 : vector<128x1xf32>
      %sub3A_27 = arith.subf %get3A_25, %mul3A_26 : vector<128x1xf32>
      %mul3A_28 = arith.constant 128 : i32
      %mul3A_29 = arith.muli %arg1, %mul3A_28 : i32
      %mul3A_30 = arith.constant 1024 : i32
      %mul3A_31 = arith.muli %arg2, %mul3A_30 : i32
      %get3A_32 = arith.index_cast %mul3A_29 : i32 to index
      %get3A_33 = arith.index_cast %mul3A_31 : i32 to index
      %get3A_34 = vector.load %arg10[%get3A_32, %get3A_33] : memref<1024x4096xf32, #tpu.memory_space<vmem>>, vector<128x1024xf32>
      %mul3A_35 = vector.broadcast %mul3A_22 : vector<128x1xf32> to vector<128x1024xf32>
      %mul3A_36 = arith.mulf %get3A_34, %mul3A_35 : vector<128x1024xf32>
      %add3A_37 = vector.broadcast %sub3A_27 : vector<128x1xf32> to vector<128x1024xf32>
      %add3A_38 = arith.addf %mul3A_36, %add3A_37 : vector<128x1024xf32>
      %max3A = arith.constant 0.000000e+00 : f32
      %max3A_39 = vector.broadcast %max3A : f32 to vector<128x1024xf32>
      %max3A_40 = arith.maximumf %add3A_38, %max3A_39 : vector<128x1024xf32>
      %swap3A = arith.constant 0 : index
      %swap3A_41 = arith.constant 0 : index
      %swap3A_42 = arith.constant 0 : index
      %swap3A_43 = vector.load %arg9[%swap3A, %swap3A_41, %swap3A_42] : memref<1x128x1024xf32, #tpu.memory_space<vmem>>, vector<1x128x1024xf32>
      %swap3A_44 = vector.shape_cast %swap3A_43 : vector<1x128x1024xf32> to vector<128x1024xf32>
      %swap3A_45 = vector.shape_cast %max3A_40 : vector<128x1024xf32> to vector<1x128x1024xf32>
      tpu.vector_store %arg9[%swap3A, %swap3A_41, %swap3A_42], %swap3A_45 {strides = array<i32>} : memref<1x128x1024xf32, #tpu.memory_space<vmem>>, vector<1x128x1024xf32>,
    } else {
    }
    return
  }
  func.func @transform_0(%arg0: i32, %arg1: i32, %arg2: i32) -> (i32, i32, i32, i32) {
    %sub3A = arith.constant 1 : i32
    %sub3A_0 = arith.subi %sub3A, %arg0 : i32
    %mul3A = arith.muli %arg1, %sub3A_0 : i32
    %sub3A_1 = arith.constant 1 : i32
    %sub3A_2 = arith.subi %sub3A_1, %arg0 : i32
    %mul3A_3 = arith.muli %arg2, %sub3A_2 : i32
    %c0_i32 = arith.constant 0 : i32
    %c0_i32_4 = arith.constant 0 : i32
    %c0_i32_5 = arith.constant 0 : i32
    return %mul3A, %c0_i32, %mul3A_3, %c0_i32_4 : i32, i32, i32, i32
  }
  func.func @transform_1(%arg0: i32, %arg1: i32, %arg2: i32) -> (i32, i32, i32) {
    %sub3A = arith.constant 1 : i32
    %sub3A_0 = arith.subi %sub3A, %arg0 : i32
    %mul3A = arith.muli %arg1, %sub3A_0 : i32
    %sub3A_1 = arith.constant 1 : i32
    %sub3A_2 = arith.subi %sub3A_1, %arg0 : i32
    %mul3A_3 = arith.muli %arg2, %sub3A_2 : i32
    %c0_i32 = arith.constant 0 : i32
    %c0_i32_4 = arith.constant 0 : i32
    return %mul3A, %c0_i32, %mul3A_3 : i32, i32, i32
  }
  func.func @transform_2(%arg0: i32, %arg1: i32, %arg2: i32) -> (i32, i32, i32) {
    %sub3A = arith.constant 1 : i32
    %sub3A_0 = arith.subi %sub3A, %arg0 : i32
    %mul3A = arith.muli %arg1, %sub3A_0 : i32
    %sub3A_1 = arith.constant 1 : i32
    %sub3A_2 = arith.subi %sub3A_1, %arg0 : i32
    %mul3A_3 = arith.muli %arg2, %sub3A_2 : i32
    %c0_i32 = arith.constant 0 : i32
    %c0_i32_4 = arith.constant 0 : i32
    return %mul3A, %c0_i32, %mul3A_3 : i32, i32, i32
  }
  func.func @transform_3(%arg0: i32, %arg1: i32, %arg2: i32) -> (i32, i32) {
    %c0_i32 = arith.constant 0 : i32
    %c0_i32_0 = arith.constant 0 : i32
    %c0_i32_1 = arith.constant 0 : i32
    return %c0_i32, %c0_i32_0 : i32, i32
  }
  func.func @transform_4(%arg0: i32, %arg1: i32, %arg2: i32) -> (i32, i32) {
    %c0_i32 = arith.constant 0 : i32
    %c0_i32_0 = arith.constant 0 : i32
    %c0_i32_1 = arith.constant 0 : i32
    return %c0_i32, %c0_i32_0 : i32, i32
  }
  func.func @transform_5(%arg0: i32, %arg1: i32, %arg2: i32) -> (i32, i32) {
    %c0_i32 = arith.constant 0 : i32
    %c0_i32_0 = arith.constant 0 : i32
    %c0_i32_1 = arith.constant 0 : i32
    return %c0_i32, %c0_i32_0 : i32, i32
  }
  func.func @transform_6(%arg0: i32, %arg1: i32, %arg2: i32) -> (i32, i32, i32) {
    %mul3A = arith.muli %arg1, %arg0 : i32
    %mul3A_0 = arith.muli %arg2, %arg0 : i32
    %c0_i32 = arith.constant 0 : i32
    %c0_i32_1 = arith.constant 0 : i32
    return %mul3A, %c0_i32, %mul3A_0 : i32, i32, i32
  }
}

</mosaic_0001>

<sc_bundles>
// kernel: kernel.5.cloned.1.call-start
scs
__scs_entry_jumppad:
0x0: {  	(pc) =	sbr.rel $0x88, $3  }
0x1: {  	(tag) =	ssettag $0x0;
	lr =	simm.s32 $0x1  }
0x2: {  	[smem:$0x3F9A] =	sst lr;
	_ =	strace $0xD0000000  }
0x3: {  	_ = 	snop  }
0x4: {  	_ = 	snop  }
0x5: {  	_ = 	snop  }
0x6: {  	_ = 	snop  }
0x7: {  	_ = 	snop  }
__scs_overlays_trampoline_lowered:
0x8: {  	[smem:$0x3FA9] =	sst s0  }
0x9: {  	[smem:$0x3FAA] =	sst s1  }
0xa: {  	[smem:$0x3FAB] =	sst s2  }
0xb: {  	[smem:$0x3FAC] =	sst s3  }
0xc: {  	[smem:$0x3FAD] =	sst s4  }
0xd: {  	[smem:$0x3FAE] =	sst s5  }
0xe: {  	[smem:$0x3FAF] =	sst s6  }
0xf: {  	[smem:$0x3FB0] =	sst s7  }
0x10: {  	[smem:$0x3FB1] =	sst s8  }
0x11: {  	[smem:$0x3FB2] =	sst s9;
	s0 =	simm.s32 @!p0 $0x0  }
0x12: {  	s1 =	sld [smem:$0x3F98];
	s0 =	simm.s32 @p0 $0x1  }
0x13: {  	[smem:$0x3FB3] =	sst s0;
	s0 =	simm.s32 @!p1 $0x0  }
0x14: {  	s2 =	sld [smem:$0x3F97];
	s0 =	simm.s32 @p1 $0x1  }
0x15: {  	[smem:$0x3FB4] =	sst s0;
	s0 =	simm.s32 @!p2 $0x0  }
0x16: {  	s3 =	sld [smem:$0x3FDB];
	s0 =	simm.s32 @p2 $0x1  }
0x17: {  	s4 =	simm.s32 $0x1BF5;
	[smem:$0x3FB6] =	sst s0  }
0x18: {  	s0 =	sld [smem:$0x3F99];
	_ =	swait.ge [sflag:s4], $0x0  }
0x19: {  	s7 =	sld [smem:$0x3F9A]  }
0x1a: {  	s8 =	sadd.s32 $0xFFFFE003, lr  }
0x1b: {  	s9 =	sadd.s32 $0xFFFFFEF7, lr;
	s5 =	simm.s32 $0xFFFFFFFF;
	p2 =	slt.u32 s8, $0xFFFFF086  }
0x1c: {  	p1 =	slt.u32 s9, $0xF7A;
	s5 =	simm.s32 @!p2 $0x0  }
0x1d: {  	s5 =	simm.s32 @p1 $0x1;
	p0 =	seq.s32 s7, s2  }
0x1e: {  	s7 =	smul.u32 @!p0 $0xF7A, s2;
	p2 =	seq.s32 @!p0 s5, $0x0  }
0x1f: {  	s9 =	smul.u32 $0xF7A, s1;
	s8 =	simm.s32 @!p0 $0x1BF5;
	p2 =	por !p2, p0  }
0x20: {  	[sflag:s8] =	ssyncset.s32 @!p0 $0xFFFFF086;
	s6 =	sadd.s32 @!p0 s3, s7;
	s7 =	simm.s32 @!p0 $0x108  }
0x21: {  	s3 =	sadd.s32 s3, s9;
	s6 =	sadd.s32 @!p0 $0x88, s6;
	s7 =	simm.s32 @p2 $0x1082  }
0x22: {  	[simem:s7], [sflag:s8] =	dma.local @!p0 [hbm:s6], $0xF7A  }
0x23: {  	s9 =	sor.u32 $0xD0000000, s2;
	s6 =	simm.s32 $0x108;
	_ =	swait.ge @!p0 [sflag:s8], $0x0  }
0x24: {  	s3 =	sadd.s32 $0x88, s3;
	s6 =	simm.s32 @!p1 $0x1082;
	[sflag:s4] =	ssyncset.s32 $0xFFFFF086  }
0x25: {  	[simem:s6], [sflag:s4] =	dma.local [hbm:s3], $0xF7A  }
0x26: {  	[smem:$0x3F9A] =	sst s1;
	(tag) =	ssettag s2;
	_ =	strace s9  }
0x27: {  	s1 =	sld [smem:$0x3FAA]  }
0x28: {  	s2 =	sld [smem:$0x3FAB]  }
0x29: {  	s4 =	sld [smem:$0x3FAD]  }
0x2a: {  	p0 =	seq.s32 s5, $0x0;
	s5 =	sld [smem:$0x3FAE]  }
0x2b: {  	s6 =	sld [smem:$0x3FAF]  }
0x2c: {  	s7 =	sld [smem:$0x3FB0]  }
0x2d: {  	s3 =	simm.s32 $0x108;
	s8 =	sld [smem:$0x3FB1]  }
0x2e: {  	s3 =	simm.s32 @!p0 $0x1082;
	s9 =	sld [smem:$0x3FB2]  }
0x2f: {  	lr =	sadd.s32 s0, s3;
	s0 =	sld [smem:$0x3FA9]  }
0x30: {  	s3 =	sld [smem:$0x3FAC]  }
0x31: {  	[smem:$0x3FB5] =	sst s10  }
0x32: {  	s10 =	sld [smem:$0x3FB3];
	_ =	sdelay $0x3  }
0x33: {  	p0 =	seq.s32 s10, $0x1;
	s10 =	sld [smem:$0x3FB5];
	_ =	sdelay $0x3  }
0x34: {  	[smem:$0x3FB5] =	sst s10  }
0x35: {  	s10 =	sld [smem:$0x3FB4];
	_ =	sdelay $0x3  }
0x36: {  	p1 =	seq.s32 s10, $0x1;
	s10 =	sld [smem:$0x3FB5];
	_ =	sdelay $0x3  }
0x37: {  	[smem:$0x3FB5] =	sst s10  }
0x38: {  	s10 =	sld [smem:$0x3FB6]  }
0x39: {  	_ = 	snop;
	(pc) =	sbr.ind lr, $3  }
0x3a: {  	_ = 	snop  }
0x3b: {  	_ = 	snop  }
0x3c: {  	p2 =	seq.s32 s10, $0x1;
	s10 =	sld [smem:$0x3FB5]  }
0x3d: {  	_ =	shalt  }
0x3e: {  	_ =	shalt  }
0x3f: {  	_ =	shalt  }
0x40: {  	_ =	shalt  }
0x41: {  	_ =	shalt  }
0x42: {  	_ =	shalt  }
0x43: {  	_ =	shalt  }
0x44: {  	_ =	shalt  }
0x45: {  	_ =	shalt  }
0x46: {  	_ =	shalt  }
0x47: {  	_ =	shalt  }
0x48: {  	_ =	shalt  }
0x49: {  	_ =	shalt  }
0x4a: {  	_ =	shalt  }
0x4b: {  	_ =	shalt  }
0x4c: {  	_ =	shalt  }
0x4d: {  	_ =	shalt  }
0x4e: {  	_ =	shalt  }
0x4f: {  	_ =	shalt  }
0x50: {  	_ =	shalt  }
0x51: {  	_ =	shalt  }
0x52: {  	_ =	shalt  }
0x53: {  	_ =	shalt  }
0x54: {  	_ =	shalt  }
0x55: {  	_ =	shalt  }
0x56: {  	_ =	shalt  }
0x57: {  	_ =	shalt  }
0x58: {  	_ =	shalt  }
0x59: {  	_ =	shalt  }
0x5a: {  	_ =	shalt  }
0x5b: {  	_ =	shalt  }
0x5c: {  	_ =	shalt  }
0x5d: {  	_ =	shalt  }
0x5e: {  	_ =	shalt  }
0x5f: {  	_ =	shalt  }
0x60: {  	_ =	shalt  }
0x61: {  	_ =	shalt  }
0x62: {  	_ =	shalt  }
0x63: {  	_ =	shalt  }
0x64: {  	_ =	shalt  }
0x65: {  	_ =	shalt  }
0x66: {  	_ =	shalt  }
0x67: {  	_ =	shalt  }
0x68: {  	_ =	shalt  }
0x69: {  	_ =	shalt  }
0x6a: {  	_ =	shalt  }
0x6b: {  	_ =	shalt  }
0x6c: {  	_ =	shalt  }
0x6d: {  	_ =	shalt  }
0x6e: {  	_ =	shalt  }
0x6f: {  	_ =	shalt  }
0x70: {  	_ =	shalt  }
0x71: {  	_ =	shalt  }
0x72: {  	_ =	shalt  }
0x73: {  	_ =	shalt  }
0x74: {  	_ =	shalt  }
0x75: {  	_ =	shalt  }
0x76: {  	_ =	shalt  }
0x77: {  	_ =	shalt  }
0x78: {  	_ =	shalt  }
0x79: {  	_ =	shalt  }
0x7a: {  	_ =	shalt  }
0x7b: {  	_ =	shalt  }
0x7c: {  	_ =	shalt  }
0x7d: {  	_ =	shalt  }
0x7e: {  	_ =	shalt  }
0x7f: {  	_ =	shalt  }
0x80: {  	_ =	shalt  }
0x81: {  	_ =	shalt  }
0x82: {  	_ =	shalt  }
0x83: {  	_ =	shalt  }
0x84: {  	_ =	shalt  }
0x85: {  	_ =	shalt  }
0x86: {  	_ =	shalt  }
0x87: {  	_ =	shalt  }
.Lfunc_end0:
.L_simem_size_0:
called_computation_lowered:
.L_overlay_start_0:
0x88: {  	s2 =	sld [smem:$0x3FD9]  }
0x89: {  	s3 =	sld [smem:$0x3FFE];
	_ =	sdelay $0x1  }
0x8a: {  	s1 =	srdreg.scid  }
0x8b: {  	s0 =	sand.u32 $0x1, s1  }
0x8c: {  	s17 =	sshll.u32 s0, $0xA;
	s2 =	sadd.s32 s3, s2  }
0x8d: {  	s2 =	sadd.s32 s2, s17  }
0x8e: {  	[smem:$0x3FC1] =	sst s2  }
0x8f: {  	_ = 	snop  }
0x90: {  	s2 =	sld [smem:$0x3FD0];
	(tm) =	ssettm $0x1  }
0x91: {  	s18 =	sld [smem:$0x3FFB];
	_ =	sdelay $0x3  }
0x92: {  	_ =	strace s18  }
0x93: {  	s3 =	sld [smem:$0x3FFC];
	_ =	sdelay $0x3  }
0x94: {  	_ =	strace s3  }
0x95: {  	s3 =	sld [smem:$0x3FFD];
	_ =	sdelay $0x3  }
0x96: {  	_ =	strace s3  }
0x97: {  	_ =	strace $0x8FFFFFFF  }
0x98: {  	s19 =	sld [smem:$0x3FDB];
	_ =	sdelay $0x1  }
0x99: {  	s4 =	simm.s32 $_scs_section_size  }
0x9a: {  	s5 =	simm.s32 $_size__tile_overlayer_lowered;
	s6 =	simm.s32 $_tile_overlayer_lowered  }
0x9b: {  	s22 =	simm.s32 $0x1BFF;
	s21 =	sshll.u32 s6, $0x1;
	s3 =	sadd.s32 s4, s19  }
0x9c: {  	s7 =	simm.s32 $0x0;
	s20 =	sshll.u32 s5, $0x1;
	s5 =	sadd.s32 s21, s3  }
0x9d: {  	[timem:s7], [sflag:s22] =	dma.local [hbm:s5], s20  }
0x9e: {  	_ =	swait.ge [sflag:s22], s20  }
0x9f: {  	s4 =	ssub.s32 $0x0, s20;
	[sflag:s22] =	ssyncset.done $0x0  }
0xa0: {  	[sflag:s22] =	ssyncadd.s32 s4;
	_ =	sdelay $0x1  }
0xa1: {  	s23 =	simm.s32 $0x1B8B  }
0xa2: {  	_ =	swait.ge [sflag:s23], $0x1  }
0xa3: {  	[sflag:s23] =	ssyncset.done $0x0  }
0xa4: {  	s25 =	simm.s32 $0x1B8E;
	s24 =	sld [smem:$0x3FFE];
	[sflag:s23] =	ssyncadd.s32 $0xFFFFFFFF  }
0xa5: {  	s26 =	simm.s32 $execute0_lowered;
	[smem:$0x3FD2] =	sst s25  }
0xa6: {  	s5 =	sshll.u32 s26, $0x1;
	_ =	strace $0x80000046;
	[dreg:$0x1] =	wrdreg $0xFFFFFFFF  }
0xa7: {  	s28 =	simm.s32 $_size_execute0_lowered;
	s3 =	sadd.s32 s3, s5;
	[dreg:$0x0] =	wrdreg $0x0  }
0xa8: {  	s5 =	sshll.u32 s28, $0x1;
	[dreg:$0x2] =	wrdreg s3  }
0xa9: {  	[dreg:$0x3] =	wrdreg s5  }
0xaa: {  	[dreg:$0x4] =	wrdreg $0xC0  }
0xab: {  	_ =	task [dreg:s7], $0x5FFFF  }
0xac: {  	[dreg:$0x1] =	wrdreg $0xFFFFFFFF  }
0xad: {  	[dreg:$0x0] =	wrdreg $0x60  }
0xae: {  	[dreg:$0x2] =	wrdreg s2  }
0xaf: {  	[dreg:$0x3] =	wrdreg s24  }
0xb0: {  	[dreg:$0x4] =	wrdreg $0x9  }
0xb1: {  	_ =	task.clear_ibuf [dreg:s7], $0x5FFFF;
	_ =	strace $0x90000046  }
0xb2: {  	s29 =	simm.s32 $0x9;
	_ =	strace $0x80000048  }
0xb3: {  	_ =	swait.ge [sflag:s29], $0x1  }
0xb4: {  	[sflag:s29] =	ssyncadd.s32 $0xFFFFFFFF  }
0xb5: {  	_ =	strace $0x90000048  }
0xb6: {  	_ =	sfence  }
0xb7: {  	s30 =	sld [smem:$0x0];
	_ =	sdelay $0x2  }
0xb8: {  	s31 =	sshll.u32 s1, $0xD;
	s1 =	sshrl.u32 s1, $0x2  }
0xb9: {  	s3 =	sand.u32 $0x4000, s31;
	s1 =	sadd.s32 s1, s30  }
0xba: {  	s0 =	sor.u32 s3, s0;
	s1 =	sshll.u32 s1, $0x11  }
0xbb: {  	s0 =	sor.u32 s1, s0  }
0xbc: {  	s0 =	sadd.s32 $0x8F2B, s0  }
0xbd: {  	[sflag:s0] =	ssyncadd.remote.s32 $0x1  }
0xbe: {  	_ =	sfence.sel $0xFFFF  }
0xbf: {  	[dreg:$0x0] =	wrdreg $0xFFFFFFFF;
	(pc) =	sbr.abs _section_cstart, $3  }
0xc0: {  	[dreg:$0x1] =	wrdreg $0xFFFFFFFF  }
0xc1: {  	_ =	task.clear_ibuf [dreg:s7], $0x2FFFF;
	_ =	strace $0x9FFFFFFF  }
0xc2: {  	(tm) =	ssettm $0x7FFFFFFF  }
0xc3: {  	_ =	shalt  }
tec
execute0_lowered:
.L_overlay_start_1:
0x0: {  	(tag) =	ssettag $0x1  }
0x1: {  	s1 =	srdreg.scid;
	s0 =	stileid.u32  }
0x2: {  	s25 =	sand.u32 $0x1, s1;
	s28 =	sshll.u32 s0, $0x1  }
0x3: {  	s2 =	rddreg [dreg:$0x0];
	s11 =	sor.u32 s25, s28  }
0x4: {  	s12 =	rddreg [dreg:$0x1];
	s24 =	smul.u32 $0xC00, s11  }
0x5: {  	s3 =	simm.s32 $0x0;
	s1 =	rddreg [dreg:$0x2]  }
0x6: {  	[smem:$0x7FF] =	sst s3;
	s23 =	sadd.s32 $0x1800, s12;
	s4 =	sshrl.u32 s24, $0x3  }
0x7: {  	_ =	strace $0x80000047;
	s5 =	sadd.s32 s23, s4;
	s4 =	simm.s32 $0x3  }
0x8: {  	[tilespmem:s3], [sflag:$0x3] =	stream.linear.gather [hbm4b:s5+s3], $0x180, $0x38;
	[tilespmem:$0x18300] =	vst v63  }
0x9: {  	_ =	swait.ge [sflag:s4], $0x180  }
0xa: {  	s6 =	simm.s32 $0x180;
	s14 =	sor.u32 $0x180, s24;
	[sflag:s4] =	ssyncset.done $0x0  }
0xb: {  	s7 =	simm.s32 $0x300;
	s8 =	sshrl.u32 s14, $0x3;
	[sflag:s4] =	ssyncadd.s32 $0xFFFFFE80  }
0xc: {  	[tilespmem:s7], [sflag:$0x1] =	stream.indirect.gather [hbm4b:s2+s6], $0x80, s3, s6, $0xb8;
	[tilespmem:$0x18300] =	vst v63  }
0xd: {  	s8 =	sadd.s32 s23, s8  }
0xe: {  	[tilespmem:s6], [sflag:$0x3] =	stream.linear.gather [hbm4b:s8+s3], $0x180, $0x38;
	[tilespmem:$0x18300] =	vst v63  }
0xf: {  	_ =	swait.ge [sflag:s4], $0x180  }
0x10: {  	[sflag:s4] =	ssyncset.done $0x0  }
0x11: {  	s9 =	simm.s32 $0xC300;
	s10 =	simm.s32 $0x1;
	[sflag:s4] =	ssyncadd.s32 $0xFFFFFE80  }
0x12: {  	[tilespmem:s9], [sflag:$0x2] =	stream.indirect.gather [hbm4b:s2+s6], $0x80, s6, s6, $0xb8;
	[tilespmem:$0x18300] =	vst v63  }
0x13: {  	s11 =	smul.u32 $0xC000, s11;
	_ =	swait.ge [sflag:s10], $0xC000  }
0x14: {  	s26 =	sadd.s32 $0x4800, s12;
	[sflag:s10] =	ssyncset.done $0x0  }
0x15: {  	s11 =	sadd.s32 s26, s11;
	[sflag:s10] =	ssyncadd.s32 $0xFFFF4000  }
0x16: {  	[hbm4b:s11+s3] =	stream.linear.scatter [tilespmem:s7], [sflag:$0x3], $0xC000, $0x38;
	[tilespmem:$0x18300] =	vst v63  }
0x17: {  	s16 =	sor.u32 $0x300, s24;
	_ =	swait.ge [sflag:s4], $0xC000  }
0x18: {  	s29 =	sshrl.u32 s16, $0x3;
	[sflag:s4] =	ssyncset.done $0x0  }
0x19: {  	s12 =	sadd.s32 s23, s29;
	[sflag:s4] =	ssyncadd.s32 $0xFFFF4000  }
0x1a: {  	[tilespmem:s3], [sflag:$0x3] =	stream.linear.gather [hbm4b:s12+s3], $0x180, $0x38;
	[tilespmem:$0x18300] =	vst v63  }
0x1b: {  	_ =	swait.ge [sflag:s4], $0x180  }
0x1c: {  	[sflag:s4] =	ssyncset.done $0x0  }
0x1d: {  	s13 =	simm.s32 $0x2;
	[sflag:s4] =	ssyncadd.s32 $0xFFFFFE80  }
0x1e: {  	[tilespmem:s7], [sflag:$0x1] =	stream.indirect.gather [hbm4b:s2+s6], $0x80, s3, s6, $0xb8;
	[tilespmem:$0x18300] =	vst v63  }
0x1f: {  	_ =	swait.ge [sflag:s13], $0xC000  }
0x20: {  	s14 =	sshll.u32 s14, $0x4;
	[sflag:s13] =	ssyncset.done $0x0  }
0x21: {  	s14 =	sadd.s32 s26, s14;
	[sflag:s13] =	ssyncadd.s32 $0xFFFF4000  }
0x22: {  	[hbm4b:s14+s3] =	stream.linear.scatter [tilespmem:s9], [sflag:$0x3], $0xC000, $0x38;
	[tilespmem:$0x18300] =	vst v63  }
0x23: {  	s18 =	sadd.s32 $0x480, s24;
	_ =	swait.ge [sflag:s4], $0xC000  }
0x24: {  	s15 =	sshrl.u32 s18, $0x3;
	[sflag:s4] =	ssyncset.done $0x0  }
0x25: {  	s15 =	sadd.s32 s23, s15;
	[sflag:s4] =	ssyncadd.s32 $0xFFFF4000  }
0x26: {  	[tilespmem:s6], [sflag:$0x3] =	stream.linear.gather [hbm4b:s15+s3], $0x180, $0x38;
	[tilespmem:$0x18300] =	vst v63  }
0x27: {  	_ =	swait.ge [sflag:s4], $0x180  }
0x28: {  	[sflag:s4] =	ssyncset.done $0x0  }
0x29: {  	[sflag:s4] =	ssyncadd.s32 $0xFFFFFE80  }
0x2a: {  	[tilespmem:s9], [sflag:$0x2] =	stream.indirect.gather [hbm4b:s2+s6], $0x80, s6, s6, $0xb8;
	[tilespmem:$0x18300] =	vst v63  }
0x2b: {  	_ =	swait.ge [sflag:s10], $0xC000  }
0x2c: {  	s16 =	sshll.u32 s16, $0x4;
	[sflag:s10] =	ssyncset.done $0x0  }
0x2d: {  	s16 =	sadd.s32 s26, s16;
	[sflag:s10] =	ssyncadd.s32 $0xFFFF4000  }
0x2e: {  	[hbm4b:s16+s3] =	stream.linear.scatter [tilespmem:s7], [sflag:$0x3], $0xC000, $0x38;
	[tilespmem:$0x18300] =	vst v63  }
0x2f: {  	s20 =	sadd.s32 $0x600, s24;
	_ =	swait.ge [sflag:s4], $0xC000  }
0x30: {  	s17 =	sshrl.u32 s20, $0x3;
	[sflag:s4] =	ssyncset.done $0x0  }
0x31: {  	s17 =	sadd.s32 s23, s17;
	[sflag:s4] =	ssyncadd.s32 $0xFFFF4000  }
0x32: {  	[tilespmem:s3], [sflag:$0x3] =	stream.linear.gather [hbm4b:s17+s3], $0x180, $0x38;
	[tilespmem:$0x18300] =	vst v63  }
0x33: {  	_ =	swait.ge [sflag:s4], $0x180  }
0x34: {  	[sflag:s4] =	ssyncset.done $0x0  }
0x35: {  	[sflag:s4] =	ssyncadd.s32 $0xFFFFFE80  }
0x36: {  	[tilespmem:s7], [sflag:$0x1] =	stream.indirect.gather [hbm4b:s2+s6], $0x80, s3, s6, $0xb8;
	[tilespmem:$0x18300] =	vst v63  }
0x37: {  	_ =	swait.ge [sflag:s13], $0xC000  }
0x38: {  	s18 =	sshll.u32 s18, $0x4;
	[sflag:s13] =	ssyncset.done $0x0  }
0x39: {  	s18 =	sadd.s32 s26, s18;
	[sflag:s13] =	ssyncadd.s32 $0xFFFF4000  }
0x3a: {  	[hbm4b:s18+s3] =	stream.linear.scatter [tilespmem:s9], [sflag:$0x3], $0xC000, $0x38;
	[tilespmem:$0x18300] =	vst v63  }
0x3b: {  	s22 =	sadd.s32 $0x780, s24;
	_ =	swait.ge [sflag:s4], $0xC000  }
0x3c: {  	s19 =	sshrl.u32 s22, $0x3;
	[sflag:s4] =	ssyncset.done $0x0  }
0x3d: {  	s19 =	sadd.s32 s23, s19;
	[sflag:s4] =	ssyncadd.s32 $0xFFFF4000  }
0x3e: {  	[tilespmem:s6], [sflag:$0x3] =	stream.linear.gather [hbm4b:s19+s3], $0x180, $0x38;
	[tilespmem:$0x18300] =	vst v63  }
0x3f: {  	_ =	swait.ge [sflag:s4], $0x180  }
0x40: {  	[sflag:s4] =	ssyncset.done $0x0  }
0x41: {  	[sflag:s4] =	ssyncadd.s32 $0xFFFFFE80  }
0x42: {  	[tilespmem:s9], [sflag:$0x2] =	stream.indirect.gather [hbm4b:s2+s6], $0x80, s6, s6, $0xb8;
	[tilespmem:$0x18300] =	vst v63  }
0x43: {  	_ =	swait.ge [sflag:s10], $0xC000  }
0x44: {  	s20 =	sshll.u32 s20, $0x4;
	[sflag:s10] =	ssyncset.done $0x0  }
0x45: {  	s20 =	sadd.s32 s26, s20;
	[sflag:s10] =	ssyncadd.s32 $0xFFFF4000  }
0x46: {  	[hbm4b:s20+s3] =	stream.linear.scatter [tilespmem:s7], [sflag:$0x3], $0xC000, $0x38;
	[tilespmem:$0x18300] =	vst v63  }
0x47: {  	s28 =	sadd.s32 $0x900, s24;
	_ =	swait.ge [sflag:s4], $0xC000  }
0x48: {  	s21 =	sshrl.u32 s28, $0x3;
	[sflag:s4] =	ssyncset.done $0x0  }
0x49: {  	s21 =	sadd.s32 s23, s21;
	[sflag:s4] =	ssyncadd.s32 $0xFFFF4000  }
0x4a: {  	[tilespmem:s3], [sflag:$0x3] =	stream.linear.gather [hbm4b:s21+s3], $0x180, $0x38;
	[tilespmem:$0x18300] =	vst v63  }
0x4b: {  	_ =	swait.ge [sflag:s4], $0x180  }
0x4c: {  	[sflag:s4] =	ssyncset.done $0x0  }
0x4d: {  	[sflag:s4] =	ssyncadd.s32 $0xFFFFFE80  }
0x4e: {  	[tilespmem:s7], [sflag:$0x1] =	stream.indirect.gather [hbm4b:s2+s6], $0x80, s3, s6, $0xb8;
	[tilespmem:$0x18300] =	vst v63  }
0x4f: {  	_ =	swait.ge [sflag:s13], $0xC000  }
0x50: {  	s22 =	sshll.u32 s22, $0x4;
	[sflag:s13] =	ssyncset.done $0x0  }
0x51: {  	s22 =	sadd.s32 s26, s22;
	[sflag:s13] =	ssyncadd.s32 $0xFFFF4000  }
0x52: {  	[hbm4b:s22+s3] =	stream.linear.scatter [tilespmem:s9], [sflag:$0x3], $0xC000, $0x38;
	[tilespmem:$0x18300] =	vst v63  }
0x53: {  	s29 =	sadd.s32 $0xA80, s24;
	_ =	swait.ge [sflag:s4], $0xC000  }
0x54: {  	s24 =	sshrl.u32 s29, $0x3;
	[sflag:s4] =	ssyncset.done $0x0  }
0x55: {  	s23 =	sadd.s32 s23, s24;
	[sflag:s4] =	ssyncadd.s32 $0xFFFF4000  }
0x56: {  	[tilespmem:s6], [sflag:$0x3] =	stream.linear.gather [hbm4b:s23+s3], $0x180, $0x38;
	[tilespmem:$0x18300] =	vst v63  }
0x57: {  	_ =	swait.ge [sflag:s4], $0x180  }
0x58: {  	[sflag:s4] =	ssyncset.done $0x0  }
0x59: {  	[sflag:s4] =	ssyncadd.s32 $0xFFFFFE80  }
0x5a: {  	[tilespmem:s9], [sflag:$0x2] =	stream.indirect.gather [hbm4b:s2+s6], $0x80, s6, s6, $0xb8;
	[tilespmem:$0x18300] =	vst v63  }
0x5b: {  	_ =	swait.ge [sflag:s10], $0xC000  }
0x5c: {  	s30 =	sshll.u32 s28, $0x4;
	[sflag:s10] =	ssyncset.done $0x0  }
0x5d: {  	s25 =	ssub.s32 $0x2, s25;
	s24 =	sadd.s32 s26, s30;
	[sflag:s10] =	ssyncadd.s32 $0xFFFF4000  }
0x5e: {  	[hbm4b:s24+s3] =	stream.linear.scatter [tilespmem:s7], [sflag:$0x3], $0xC000, $0x38;
	[tilespmem:$0x18300] =	vst v63  }
0x5f: {  	s31 =	sshrl.u32 s25, $0x1;
	_ =	swait.ge [sflag:s4], $0xC000  }
0x60: {  	s28 =	ssub.s32 s25, s31;
	[sflag:s4] =	ssyncset.done $0x0  }
0x61: {  	s31 =	smax.u32 s28, $0x1;
	[sflag:s4] =	ssyncadd.s32 $0xFFFF4000  }
0x62: {  	p0 =	sne.s32 s31, $0x1;
	_ =	swait.ge [sflag:s13], $0xC000  }
.Ltmp0:
0x63: {  	s30 =	sshll.u32 s29, $0x4;
	[sflag:s13] =	ssyncset.done $0x0;
	(pc) =	sbr.rel @!p0 .LBB2_2-.Ltmp0, $4  }
0x64: {  	s25 =	sadd.s32 s26, s30;
	[sflag:s13] =	ssyncadd.s32 $0xFFFF4000  }
0x65: {  	[hbm4b:s25+s3] =	stream.linear.scatter [tilespmem:s9], [sflag:$0x3], $0xC000, $0x38;
	[tilespmem:$0x18300] =	vst v63  }
0x66: {  	_ =	swait.ge [sflag:s4], $0xC000  }
0x67: {  	s26 =	sadd.s32 $0xFFFFFFFF, s31;
	[sflag:s4] =	ssyncset.done $0x0  }
.LBB2_1:
0x68: {  	p0 =	sne.s32 s26, $0x1;
	s26 =	sadd.s32 $0xFFFFFFFF, s26;
	[sflag:s4] =	ssyncadd.s32 $0xFFFF4000  }
0x69: {  	[tilespmem:s3], [sflag:$0x3] =	stream.linear.gather [hbm4b:s5+s3], $0x180, $0x38;
	[tilespmem:$0x18300] =	vst v63  }
0x6a: {  	_ =	swait.ge [sflag:s4], $0x180  }
0x6b: {  	[sflag:s4] =	ssyncset.done $0x0  }
0x6c: {  	[sflag:s4] =	ssyncadd.s32 $0xFFFFFE80  }
0x6d: {  	[tilespmem:s7], [sflag:$0x1] =	stream.indirect.gather [hbm4b:s2+s6], $0x80, s3, s6, $0xb8;
	[tilespmem:$0x18300] =	vst v63  }
0x6e: {  	_ = 	snop  }
0x6f: {  	[tilespmem:s6], [sflag:$0x3] =	stream.linear.gather [hbm4b:s8+s3], $0x180, $0x38;
	[tilespmem:$0x18300] =	vst v63  }
0x70: {  	_ =	swait.ge [sflag:s4], $0x180  }
0x71: {  	[sflag:s4] =	ssyncset.done $0x0  }
0x72: {  	[sflag:s4] =	ssyncadd.s32 $0xFFFFFE80  }
0x73: {  	[tilespmem:s9], [sflag:$0x2] =	stream.indirect.gather [hbm4b:s2+s6], $0x80, s6, s6, $0xb8;
	[tilespmem:$0x18300] =	vst v63  }
0x74: {  	_ =	swait.ge [sflag:s10], $0xC000  }
0x75: {  	[sflag:s10] =	ssyncset.done $0x0  }
0x76: {  	[sflag:s10] =	ssyncadd.s32 $0xFFFF4000  }
0x77: {  	[hbm4b:s11+s3] =	stream.linear.scatter [tilespmem:s7], [sflag:$0x3], $0xC000, $0x38;
	[tilespmem:$0x18300] =	vst v63  }
0x78: {  	_ =	swait.ge [sflag:s4], $0xC000  }
0x79: {  	[sflag:s4] =	ssyncset.done $0x0  }
0x7a: {  	[sflag:s4] =	ssyncadd.s32 $0xFFFF4000  }
0x7b: {  	[tilespmem:s3], [sflag:$0x3] =	stream.linear.gather [hbm4b:s12+s3], $0x180, $0x38;
	[tilespmem:$0x18300] =	vst v63  }
0x7c: {  	_ =	swait.ge [sflag:s4], $0x180  }
0x7d: {  	[sflag:s4] =	ssyncset.done $0x0  }
0x7e: {  	[sflag:s4] =	ssyncadd.s32 $0xFFFFFE80  }
0x7f: {  	[tilespmem:s7], [sflag:$0x1] =	stream.indirect.gather [hbm4b:s2+s6], $0x80, s3, s6, $0xb8;
	[tilespmem:$0x18300] =	vst v63  }
0x80: {  	_ =	swait.ge [sflag:s13], $0xC000  }
0x81: {  	[sflag:s13] =	ssyncset.done $0x0  }
0x82: {  	[sflag:s13] =	ssyncadd.s32 $0xFFFF4000  }
0x83: {  	[hbm4b:s14+s3] =	stream.linear.scatter [tilespmem:s9], [sflag:$0x3], $0xC000, $0x38;
	[tilespmem:$0x18300] =	vst v63  }
0x84: {  	_ =	swait.ge [sflag:s4], $0xC000  }
0x85: {  	[sflag:s4] =	ssyncset.done $0x0  }
0x86: {  	[sflag:s4] =	ssyncadd.s32 $0xFFFF4000  }
0x87: {  	[tilespmem:s6], [sflag:$0x3] =	stream.linear.gather [hbm4b:s15+s3], $0x180, $0x38;
	[tilespmem:$0x18300] =	vst v63  }
0x88: {  	_ =	swait.ge [sflag:s4], $0x180  }
0x89: {  	[sflag:s4] =	ssyncset.done $0x0  }
0x8a: {  	[sflag:s4] =	ssyncadd.s32 $0xFFFFFE80  }
0x8b: {  	[tilespmem:s9], [sflag:$0x2] =	stream.indirect.gather [hbm4b:s2+s6], $0x80, s6, s6, $0xb8;
	[tilespmem:$0x18300] =	vst v63  }
0x8c: {  	_ =	swait.ge [sflag:s10], $0xC000  }
0x8d: {  	[sflag:s10] =	ssyncset.done $0x0  }
0x8e: {  	[sflag:s10] =	ssyncadd.s32 $0xFFFF4000  }
0x8f: {  	[hbm4b:s16+s3] =	stream.linear.scatter [tilespmem:s7], [sflag:$0x3], $0xC000, $0x38;
	[tilespmem:$0x18300] =	vst v63  }
0x90: {  	_ =	swait.ge [sflag:s4], $0xC000  }
0x91: {  	[sflag:s4] =	ssyncset.done $0x0  }
0x92: {  	[sflag:s4] =	ssyncadd.s32 $0xFFFF4000  }
0x93: {  	[tilespmem:s3], [sflag:$0x3] =	stream.linear.gather [hbm4b:s17+s3], $0x180, $0x38;
	[tilespmem:$0x18300] =	vst v63  }
0x94: {  	_ =	swait.ge [sflag:s4], $0x180  }
0x95: {  	[sflag:s4] =	ssyncset.done $0x0  }
0x96: {  	[sflag:s4] =	ssyncadd.s32 $0xFFFFFE80  }
0x97: {  	[tilespmem:s7], [sflag:$0x1] =	stream.indirect.gather [hbm4b:s2+s6], $0x80, s3, s6, $0xb8;
	[tilespmem:$0x18300] =	vst v63  }
0x98: {  	_ =	swait.ge [sflag:s13], $0xC000  }
0x99: {  	[sflag:s13] =	ssyncset.done $0x0  }
0x9a: {  	[sflag:s13] =	ssyncadd.s32 $0xFFFF4000  }
0x9b: {  	[hbm4b:s18+s3] =	stream.linear.scatter [tilespmem:s9], [sflag:$0x3], $0xC000, $0x38;
	[tilespmem:$0x18300] =	vst v63  }
0x9c: {  	_ =	swait.ge [sflag:s4], $0xC000  }
0x9d: {  	[sflag:s4] =	ssyncset.done $0x0  }
0x9e: {  	[sflag:s4] =	ssyncadd.s32 $0xFFFF4000  }
0x9f: {  	[tilespmem:s6], [sflag:$0x3] =	stream.linear.gather [hbm4b:s19+s3], $0x180, $0x38;
	[tilespmem:$0x18300] =	vst v63  }
0xa0: {  	_ =	swait.ge [sflag:s4], $0x180  }
0xa1: {  	[sflag:s4] =	ssyncset.done $0x0  }
0xa2: {  	[sflag:s4] =	ssyncadd.s32 $0xFFFFFE80  }
0xa3: {  	[tilespmem:s9], [sflag:$0x2] =	stream.indirect.gather [hbm4b:s2+s6], $0x80, s6, s6, $0xb8;
	[tilespmem:$0x18300] =	vst v63  }
0xa4: {  	_ =	swait.ge [sflag:s10], $0xC000  }
0xa5: {  	[sflag:s10] =	ssyncset.done $0x0  }
0xa6: {  	[sflag:s10] =	ssyncadd.s32 $0xFFFF4000  }
0xa7: {  	[hbm4b:s20+s3] =	stream.linear.scatter [tilespmem:s7], [sflag:$0x3], $0xC000, $0x38;
	[tilespmem:$0x18300] =	vst v63  }
0xa8: {  	_ =	swait.ge [sflag:s4], $0xC000  }
0xa9: {  	[sflag:s4] =	ssyncset.done $0x0  }
0xaa: {  	[sflag:s4] =	ssyncadd.s32 $0xFFFF4000  }
0xab: {  	[tilespmem:s3], [sflag:$0x3] =	stream.linear.gather [hbm4b:s21+s3], $0x180, $0x38;
	[tilespmem:$0x18300] =	vst v63  }
0xac: {  	_ =	swait.ge [sflag:s4], $0x180  }
0xad: {  	[sflag:s4] =	ssyncset.done $0x0  }
0xae: {  	[sflag:s4] =	ssyncadd.s32 $0xFFFFFE80  }
0xaf: {  	[tilespmem:s7], [sflag:$0x1] =	stream.indirect.gather [hbm4b:s2+s6], $0x80, s3, s6, $0xb8;
	[tilespmem:$0x18300] =	vst v63  }
0xb0: {  	_ =	swait.ge [sflag:s13], $0xC000  }
0xb1: {  	[sflag:s13] =	ssyncset.done $0x0  }
0xb2: {  	[sflag:s13] =	ssyncadd.s32 $0xFFFF4000  }
0xb3: {  	[hbm4b:s22+s3] =	stream.linear.scatter [tilespmem:s9], [sflag:$0x3], $0xC000, $0x38;
	[tilespmem:$0x18300] =	vst v63  }
0xb4: {  	_ =	swait.ge [sflag:s4], $0xC000  }
0xb5: {  	[sflag:s4] =	ssyncset.done $0x0  }
0xb6: {  	[sflag:s4] =	ssyncadd.s32 $0xFFFF4000  }
0xb7: {  	[tilespmem:s6], [sflag:$0x3] =	stream.linear.gather [hbm4b:s23+s3], $0x180, $0x38;
	[tilespmem:$0x18300] =	vst v63  }
0xb8: {  	_ =	swait.ge [sflag:s4], $0x180  }
0xb9: {  	[sflag:s4] =	ssyncset.done $0x0  }
0xba: {  	[sflag:s4] =	ssyncadd.s32 $0xFFFFFE80  }
0xbb: {  	[tilespmem:s9], [sflag:$0x2] =	stream.indirect.gather [hbm4b:s2+s6], $0x80, s6, s6, $0xb8;
	[tilespmem:$0x18300] =	vst v63  }
0xbc: {  	_ =	swait.ge [sflag:s10], $0xC000  }
0xbd: {  	[sflag:s10] =	ssyncset.done $0x0  }
0xbe: {  	[sflag:s10] =	ssyncadd.s32 $0xFFFF4000  }
0xbf: {  	[hbm4b:s24+s3] =	stream.linear.scatter [tilespmem:s7], [sflag:$0x3], $0xC000, $0x38;
	[tilespmem:$0x18300] =	vst v63  }
0xc0: {  	_ =	swait.ge [sflag:s4], $0xC000  }
0xc1: {  	[sflag:s4] =	ssyncset.done $0x0  }
0xc2: {  	[sflag:s4] =	ssyncadd.s32 $0xFFFF4000  }
0xc3: {  	_ =	swait.ge [sflag:s13], $0xC000  }
.Ltmp1:
0xc4: {  	[sflag:s13] =	ssyncset.done $0x0;
	(pc) =	sbr.rel @p0 .LBB2_1-.Ltmp1, $4  }
0xc5: {  	[sflag:s13] =	ssyncadd.s32 $0xFFFF4000  }
0xc6: {  	[hbm4b:s25+s3] =	stream.linear.scatter [tilespmem:s9], [sflag:$0x3], $0xC000, $0x38;
	[tilespmem:$0x18300] =	vst v63  }
0xc7: {  	_ =	swait.ge [sflag:s4], $0xC000  }
0xc8: {  	[sflag:s4] =	ssyncset.done $0x0  }
.LBB2_2:
0xc9: {  	[sflag:s4] =	ssyncadd.s32 $0xFFFF4000  }
0xca: {  	_ =	sfence.sel $0x180000  }
0xcb: {  	[bflag:$0x0] =	sbarrier.arrive $0xFFFF  }
0xcc: {  	p0 =	sne.s32 s0, $0x0;
	_ =	strace $0x90000047  }
0xcd: {  	s0 =	sadd.s32 @!p0 $0x100000, s1;
	[bflag:$0x2] =	sbarrier.arrive $0xFFFF  }
0xce: {  	[sflag:s0] =	ssyncadd.tile.s32 @!p0 $0x1;
	_ =	shalt  }
.Lfunc_end2:
_tile_overlayer_lowered:
.L_overlay_start_2:
0xcf: {  	(tag) =	ssettag $0x2  }
0xd0: {  	s0 =	rddreg [dreg:$0x0];
	s2 =	stileid.u32  }
0xd1: {  	s1 =	rddreg [dreg:$0x1];
	p0 =	sne.s32 s2, $0x0  }
0xd2: {  	s3 =	rddreg [dreg:$0x2];
	[bflag:$0x3] =	sbarrier.arrive $0xFFFF;
	s2 =	simm.s32 @!p0 $0x1C03  }
0xd3: {  	[timem:s3], [sflag:s2] =	dma.local @!p0 [hbm:s0], s1  }
0xd4: {  	s0 =	simm.s32 @!p0 $0x3  }
0xd5: {  	_ =	swait.ge @!p0 [sflag:s0], s1  }
0xd6: {  	s1 =	ssub.s32 @!p0 $0x0, s1;
	[sflag:s0] =	ssyncset.done @!p0 $0x0  }
0xd7: {  	[sflag:s0] =	ssyncadd.s32 @!p0 s1  }
0xd8: {  	[bflag:$0x3] =	sbarrier.arrive $0xFFFF  }
0xd9: {  	_ =	shalt  }

</sc_bundles>
